<compile_context>
chip_gen: v7x
topology: tpu7x:2x2x1
jax: 0.10.2.dev20260603
libtpu: 0.0.44.dev20260713+nightly
codegen_flags: <defaults>
</compile_context>

<pallas_src>
import functools

import jax
import jax.numpy as jnp
from jax import lax
from jax.experimental import pallas as pl
from jax.experimental.pallas import tpu as pltpu
from jax.experimental.pallas import tpu_sc as plsc

_NC = 2
_NS = 16
_NW = _NC * _NS

_VOCAB = 200
_DIM = 32
_LANES = 16
_BATCH = 16384
_SEQ = 200
_ROWS_PER_W = _BATCH // _NW
_NSLOTS = 4
_FULL_GROUPS = _SEQ // _LANES
_TAIL_START = _SEQ - _LANES

_mesh = plsc.VectorSubcoreMesh(
    core_axis_name="c", subcore_axis_name="s", num_cores=_NC, num_subcores=_NS
)


@functools.partial(
    pl.kernel,
    out_type=jax.ShapeDtypeStruct((_BATCH, _SEQ, _DIM), jnp.float32),
    mesh=_mesh,
    scratch_types=[
        pltpu.VMEM((_VOCAB * _DIM,), jnp.float32),
        pltpu.VMEM((_NSLOTS, _SEQ), jnp.int32),
        pltpu.VMEM((_NSLOTS, _SEQ, _DIM), jnp.float32),
        pltpu.SemaphoreType.DMA,
        pltpu.SemaphoreType.DMA,
    ],
    compiler_params=pltpu.CompilerParams(
        use_tc_tiling_on_sc=True, needs_layout_passes=False
    ),
)
def _emb_lookup(pos_hbm, table_hbm, out_hbm, tab_v, idx_v, rows_v, sem_i, sem_o):
    wid = lax.axis_index("s") * _NC + lax.axis_index("c")
    base = wid * _ROWS_PER_W

    pltpu.sync_copy(table_hbm, tab_v)

    iota = lax.iota(jnp.int32, _LANES)
    zero = iota * 0
    cols = [(iota + c) & (_DIM - 1) for c in range(_DIM)]

    def start_idx(i, s):
        pltpu.async_copy(
            pos_hbm.at[pl.ds(base + i, 1), :], idx_v.at[pl.ds(s, 1)], sem_i
        )

    def wait_idx(s):
        pltpu.make_async_copy(
            pos_hbm.at[pl.ds(base, 1), :], idx_v.at[pl.ds(s, 1)], sem_i
        ).wait()

    def start_out(i, s):
        pltpu.async_copy(
            rows_v.at[pl.ds(s, 1)],
            out_hbm.at[pl.ds(base + i, 1), :, :],
            sem_o,
        )

    def wait_out(s):
        pltpu.make_async_copy(
            rows_v.at[pl.ds(s, 1)], out_hbm.at[pl.ds(base, 1), :, :], sem_o
        ).wait()

    def expand_group(s, q0):
        iv = idx_v[s, pl.ds(q0, _LANES)]
        iv32 = iv * _DIM
        rows_slot = rows_v.at[pl.ds(s, 1)]
        rowq = iota + q0
        lag = 4
        vs = [None] * _DIM
        for c in range(_DIM):
            vs[c] = plsc.load_gather(tab_v, [iv32 + cols[c]])
            if c >= lag:
                plsc.store_scatter(
                    rows_slot, [zero, rowq, cols[c - lag]], vs[c - lag]
                )
        for c in range(_DIM - lag, _DIM):
            plsc.store_scatter(rows_slot, [zero, rowq, cols[c]], vs[c])

    @pl.loop(0, _NSLOTS)
    def _prime(s):
        start_idx(s, s)

    @pl.loop(0, _ROWS_PER_W)
    def _row(i):
        s = lax.rem(i, _NSLOTS)
        wait_idx(s)

        @pl.when(i >= _NSLOTS)
        def _():
            wait_out(s)

        @pl.loop(0, _FULL_GROUPS)
        def _group(k):
            expand_group(s, k * _LANES)

        expand_group(s, _TAIL_START)

        @pl.when(i < _ROWS_PER_W - _NSLOTS)
        def _():
            start_idx(i + _NSLOTS, s)

        start_out(i, s)

    @pl.loop(0, _NSLOTS)
    def _drain(s):
        wait_out(s)


def kernel(positions, table):
    return _emb_lookup(positions, table.reshape(_VOCAB * _DIM))

# --- scband reference (transcript-rebuilt; emitter-appended) ---
"""Pipeline reference for scband-positional-embedding-73684458930454 (READ-ONLY COPY).

The authoritative reference and input builder live on the scoring server;
editing this copy changes nothing except your own understanding.
"""

import jax, jax.numpy as jnp
import numpy as np

MAX_SEQ_LEN = 200
POS_EMB_DIM = 32
BATCH = 16384
SEQ = 200

def setup_inputs(seed: int = 0) -> dict:
    key = jax.random.key(seed)
    k1, k2 = jax.random.split(key)
    positions = jax.random.randint(k1, (BATCH, SEQ), 0, MAX_SEQ_LEN, dtype=jnp.int64 if jax.config.jax_enable_x64 else jnp.int32)
    # nn.Embedding default init: N(0, 1)
    table = jax.random.normal(k2, (MAX_SEQ_LEN, POS_EMB_DIM), dtype=jnp.float32)
    return {"positions": positions, "table": table}

def reference(positions, table):
    # nn.Embedding lookup: gather rows of the table
    embeddings = jnp.take(table, positions, axis=0)
    return embeddings

if __name__ == "__main__":
    import jax
    _d = setup_inputs()
    print(jax.jit(kernel)(*tuple(_d.values())))

</pallas_src>

<mosaic_0001>
#map = affine_map<(d0, d1) -> (0, 0)>
#map1 = affine_map<(d0, d1) -> (0)>
#map2 = affine_map<(d0, d1) -> (0, 0, 0)>
module attributes {stable_mosaic.version = 14 : i64} {
  func.func @_emb_lookup(%arg0: i32, %arg1: i32, %arg2: memref<16384x200xi32, #tpu.memory_space<hbm>>, %arg3: memref<6400xf32, #tpu.memory_space<hbm>>, %arg4: memref<16384x200x32xf32, #tpu.memory_space<hbm>>, %arg5: memref<6400xf32, #tpu.memory_space<vmem>>, %arg6: memref<4x200xi32, #tpu.memory_space<vmem>>, %arg7: memref<4x200x32xf32, #tpu.memory_space<vmem>>, %arg8: memref<!tpu.dma_semaphore, #tpu.memory_space<semaphore_mem>>, %arg9: memref<!tpu.dma_semaphore, #tpu.memory_space<semaphore_mem>>) attributes {dimension_semantics = [#tpu.dimension_semantics<core_parallel>, #tpu.dimension_semantics<subcore_parallel>], iteration_bounds = array<i64: 2, 16>, scalar_prefetch = 0 : i64, scratch_operands = 5 : i64, tpu.core_type = #tpu.core_type<sc_vector_subcore>, window_params = [{transform_indices = #map}, {transform_indices = #map1}, {transform_indices = #map2}]} {
    %mul3A = arith.constant 2 : i32
    %mul3A_0 = arith.muli %arg1, %mul3A : i32
    %add3A = arith.addi %mul3A_0, %arg0 : i32
    %mul3A_1 = arith.constant 512 : i32
    %mul3A_2 = arith.muli %add3A, %mul3A_1 : i32
    "tpu.region"() ({
      %run_scoped3A = tpu.sem_alloc : memref<!tpu.dma_semaphore, #tpu.memory_space<semaphore_mem>>
      tpu.enqueue_dma source(%arg3 : memref<6400xf32, #tpu.memory_space<hbm>>) target(%arg5 : memref<6400xf32, #tpu.memory_space<vmem>>) target_semaphore(%run_scoped3A : memref<!tpu.dma_semaphore, #tpu.memory_space<semaphore_mem>>)
      tpu.wait_dma2 semaphore(%run_scoped3A : memref<!tpu.dma_semaphore, #tpu.memory_space<semaphore_mem>>) src(%arg3 : memref<6400xf32, #tpu.memory_space<hbm>>) dst(%arg5 : memref<6400xf32, #tpu.memory_space<vmem>>)
      tpu.yield
    }) : () -> ()
    %iota3A = tpu.iota {dimensions = array<i32: 0>} : vector<16xi32>
    %mul3A_3 = arith.constant 0 : i32
    %mul3A_4 = vector.broadcast %mul3A_3 : i32 to vector<16xi32>
    %mul3A_5 = arith.muli %iota3A, %mul3A_4 : vector<16xi32>
    %add3A_6 = arith.constant 0 : i32
    %add3A_7 = vector.broadcast %add3A_6 : i32 to vector<16xi32>
    %add3A_8 = arith.addi %iota3A, %add3A_7 : vector<16xi32>
    %and3A = arith.constant 31 : i32
    %and3A_9 = vector.broadcast %and3A : i32 to vector<16xi32>
    %and3A_10 = arith.andi %add3A_8, %and3A_9 : vector<16xi32>
    %add3A_11 = arith.constant 1 : i32
    %add3A_12 = vector.broadcast %add3A_11 : i32 to vector<16xi32>
    %add3A_13 = arith.addi %iota3A, %add3A_12 : vector<16xi32>
    %and3A_14 = arith.constant 31 : i32
    %and3A_15 = vector.broadcast %and3A_14 : i32 to vector<16xi32>
    %and3A_16 = arith.andi %add3A_13, %and3A_15 : vector<16xi32>
    %add3A_17 = arith.constant 2 : i32
    %add3A_18 = vector.broadcast %add3A_17 : i32 to vector<16xi32>
    %add3A_19 = arith.addi %iota3A, %add3A_18 : vector<16xi32>
    %and3A_20 = arith.constant 31 : i32
    %and3A_21 = vector.broadcast %and3A_20 : i32 to vector<16xi32>
    %and3A_22 = arith.andi %add3A_19, %and3A_21 : vector<16xi32>
    %add3A_23 = arith.constant 3 : i32
    %add3A_24 = vector.broadcast %add3A_23 : i32 to vector<16xi32>
    %add3A_25 = arith.addi %iota3A, %add3A_24 : vector<16xi32>
    %and3A_26 = arith.constant 31 : i32
    %and3A_27 = vector.broadcast %and3A_26 : i32 to vector<16xi32>
    %and3A_28 = arith.andi %add3A_25, %and3A_27 : vector<16xi32>
    %add3A_29 = arith.constant 4 : i32
    %add3A_30 = vector.broadcast %add3A_29 : i32 to vector<16xi32>
    %add3A_31 = arith.addi %iota3A, %add3A_30 : vector<16xi32>
    %and3A_32 = arith.constant 31 : i32
    %and3A_33 = vector.broadcast %and3A_32 : i32 to vector<16xi32>
    %and3A_34 = arith.andi %add3A_31, %and3A_33 : vector<16xi32>
    %add3A_35 = arith.constant 5 : i32
    %add3A_36 = vector.broadcast %add3A_35 : i32 to vector<16xi32>
    %add3A_37 = arith.addi %iota3A, %add3A_36 : vector<16xi32>
    %and3A_38 = arith.constant 31 : i32
    %and3A_39 = vector.broadcast %and3A_38 : i32 to vector<16xi32>
    %and3A_40 = arith.andi %add3A_37, %and3A_39 : vector<16xi32>
    %add3A_41 = arith.constant 6 : i32
    %add3A_42 = vector.broadcast %add3A_41 : i32 to vector<16xi32>
    %add3A_43 = arith.addi %iota3A, %add3A_42 : vector<16xi32>
    %and3A_44 = arith.constant 31 : i32
    %and3A_45 = vector.broadcast %and3A_44 : i32 to vector<16xi32>
    %and3A_46 = arith.andi %add3A_43, %and3A_45 : vector<16xi32>
    %add3A_47 = arith.constant 7 : i32
    %add3A_48 = vector.broadcast %add3A_47 : i32 to vector<16xi32>
    %add3A_49 = arith.addi %iota3A, %add3A_48 : vector<16xi32>
    %and3A_50 = arith.constant 31 : i32
    %and3A_51 = vector.broadcast %and3A_50 : i32 to vector<16xi32>
    %and3A_52 = arith.andi %add3A_49, %and3A_51 : vector<16xi32>
    %add3A_53 = arith.constant 8 : i32
    %add3A_54 = vector.broadcast %add3A_53 : i32 to vector<16xi32>
    %add3A_55 = arith.addi %iota3A, %add3A_54 : vector<16xi32>
    %and3A_56 = arith.constant 31 : i32
    %and3A_57 = vector.broadcast %and3A_56 : i32 to vector<16xi32>
    %and3A_58 = arith.andi %add3A_55, %and3A_57 : vector<16xi32>
    %add3A_59 = arith.constant 9 : i32
    %add3A_60 = vector.broadcast %add3A_59 : i32 to vector<16xi32>
    %add3A_61 = arith.addi %iota3A, %add3A_60 : vector<16xi32>
    %and3A_62 = arith.constant 31 : i32
    %and3A_63 = vector.broadcast %and3A_62 : i32 to vector<16xi32>
    %and3A_64 = arith.andi %add3A_61, %and3A_63 : vector<16xi32>
    %add3A_65 = arith.constant 10 : i32
    %add3A_66 = vector.broadcast %add3A_65 : i32 to vector<16xi32>
    %add3A_67 = arith.addi %iota3A, %add3A_66 : vector<16xi32>
    %and3A_68 = arith.constant 31 : i32
    %and3A_69 = vector.broadcast %and3A_68 : i32 to vector<16xi32>
    %and3A_70 = arith.andi %add3A_67, %and3A_69 : vector<16xi32>
    %add3A_71 = arith.constant 11 : i32
    %add3A_72 = vector.broadcast %add3A_71 : i32 to vector<16xi32>
    %add3A_73 = arith.addi %iota3A, %add3A_72 : vector<16xi32>
    %and3A_74 = arith.constant 31 : i32
    %and3A_75 = vector.broadcast %and3A_74 : i32 to vector<16xi32>
    %and3A_76 = arith.andi %add3A_73, %and3A_75 : vector<16xi32>
    %add3A_77 = arith.constant 12 : i32
    %add3A_78 = vector.broadcast %add3A_77 : i32 to vector<16xi32>
    %add3A_79 = arith.addi %iota3A, %add3A_78 : vector<16xi32>
    %and3A_80 = arith.constant 31 : i32
    %and3A_81 = vector.broadcast %and3A_80 : i32 to vector<16xi32>
    %and3A_82 = arith.andi %add3A_79, %and3A_81 : vector<16xi32>
    %add3A_83 = arith.constant 13 : i32
    %add3A_84 = vector.broadcast %add3A_83 : i32 to vector<16xi32>
    %add3A_85 = arith.addi %iota3A, %add3A_84 : vector<16xi32>
    %and3A_86 = arith.constant 31 : i32
    %and3A_87 = vector.broadcast %and3A_86 : i32 to vector<16xi32>
    %and3A_88 = arith.andi %add3A_85, %and3A_87 : vector<16xi32>
    %add3A_89 = arith.constant 14 : i32
    %add3A_90 = vector.broadcast %add3A_89 : i32 to vector<16xi32>
    %add3A_91 = arith.addi %iota3A, %add3A_90 : vector<16xi32>
    %and3A_92 = arith.constant 31 : i32
    %and3A_93 = vector.broadcast %and3A_92 : i32 to vector<16xi32>
    %and3A_94 = arith.andi %add3A_91, %and3A_93 : vector<16xi32>
    %add3A_95 = arith.constant 15 : i32
    %add3A_96 = vector.broadcast %add3A_95 : i32 to vector<16xi32>
    %add3A_97 = arith.addi %iota3A, %add3A_96 : vector<16xi32>
    %and3A_98 = arith.constant 31 : i32
    %and3A_99 = vector.broadcast %and3A_98 : i32 to vector<16xi32>
    %and3A_100 = arith.andi %add3A_97, %and3A_99 : vector<16xi32>
    %add3A_101 = arith.constant 16 : i32
    %add3A_102 = vector.broadcast %add3A_101 : i32 to vector<16xi32>
    %add3A_103 = arith.addi %iota3A, %add3A_102 : vector<16xi32>
    %and3A_104 = arith.constant 31 : i32
    %and3A_105 = vector.broadcast %and3A_104 : i32 to vector<16xi32>
    %and3A_106 = arith.andi %add3A_103, %and3A_105 : vector<16xi32>
    %add3A_107 = arith.constant 17 : i32
    %add3A_108 = vector.broadcast %add3A_107 : i32 to vector<16xi32>
    %add3A_109 = arith.addi %iota3A, %add3A_108 : vector<16xi32>
    %and3A_110 = arith.constant 31 : i32
    %and3A_111 = vector.broadcast %and3A_110 : i32 to vector<16xi32>
    %and3A_112 = arith.andi %add3A_109, %and3A_111 : vector<16xi32>
    %add3A_113 = arith.constant 18 : i32
    %add3A_114 = vector.broadcast %add3A_113 : i32 to vector<16xi32>
    %add3A_115 = arith.addi %iota3A, %add3A_114 : vector<16xi32>
    %and3A_116 = arith.constant 31 : i32
    %and3A_117 = vector.broadcast %and3A_116 : i32 to vector<16xi32>
    %and3A_118 = arith.andi %add3A_115, %and3A_117 : vector<16xi32>
    %add3A_119 = arith.constant 19 : i32
    %add3A_120 = vector.broadcast %add3A_119 : i32 to vector<16xi32>
    %add3A_121 = arith.addi %iota3A, %add3A_120 : vector<16xi32>
    %and3A_122 = arith.constant 31 : i32
    %and3A_123 = vector.broadcast %and3A_122 : i32 to vector<16xi32>
    %and3A_124 = arith.andi %add3A_121, %and3A_123 : vector<16xi32>
    %add3A_125 = arith.constant 20 : i32
    %add3A_126 = vector.broadcast %add3A_125 : i32 to vector<16xi32>
    %add3A_127 = arith.addi %iota3A, %add3A_126 : vector<16xi32>
    %and3A_128 = arith.constant 31 : i32
    %and3A_129 = vector.broadcast %and3A_128 : i32 to vector<16xi32>
    %and3A_130 = arith.andi %add3A_127, %and3A_129 : vector<16xi32>
    %add3A_131 = arith.constant 21 : i32
    %add3A_132 = vector.broadcast %add3A_131 : i32 to vector<16xi32>
    %add3A_133 = arith.addi %iota3A, %add3A_132 : vector<16xi32>
    %and3A_134 = arith.constant 31 : i32
    %and3A_135 = vector.broadcast %and3A_134 : i32 to vector<16xi32>
    %and3A_136 = arith.andi %add3A_133, %and3A_135 : vector<16xi32>
    %add3A_137 = arith.constant 22 : i32
    %add3A_138 = vector.broadcast %add3A_137 : i32 to vector<16xi32>
    %add3A_139 = arith.addi %iota3A, %add3A_138 : vector<16xi32>
    %and3A_140 = arith.constant 31 : i32
    %and3A_141 = vector.broadcast %and3A_140 : i32 to vector<16xi32>
    %and3A_142 = arith.andi %add3A_139, %and3A_141 : vector<16xi32>
    %add3A_143 = arith.constant 23 : i32
    %add3A_144 = vector.broadcast %add3A_143 : i32 to vector<16xi32>
    %add3A_145 = arith.addi %iota3A, %add3A_144 : vector<16xi32>
    %and3A_146 = arith.constant 31 : i32
    %and3A_147 = vector.broadcast %and3A_146 : i32 to vector<16xi32>
    %and3A_148 = arith.andi %add3A_145, %and3A_147 : vector<16xi32>
    %add3A_149 = arith.constant 24 : i32
    %add3A_150 = vector.broadcast %add3A_149 : i32 to vector<16xi32>
    %add3A_151 = arith.addi %iota3A, %add3A_150 : vector<16xi32>
    %and3A_152 = arith.constant 31 : i32
    %and3A_153 = vector.broadcast %and3A_152 : i32 to vector<16xi32>
    %and3A_154 = arith.andi %add3A_151, %and3A_153 : vector<16xi32>
    %add3A_155 = arith.constant 25 : i32
    %add3A_156 = vector.broadcast %add3A_155 : i32 to vector<16xi32>
    %add3A_157 = arith.addi %iota3A, %add3A_156 : vector<16xi32>
    %and3A_158 = arith.constant 31 : i32
    %and3A_159 = vector.broadcast %and3A_158 : i32 to vector<16xi32>
    %and3A_160 = arith.andi %add3A_157, %and3A_159 : vector<16xi32>
    %add3A_161 = arith.constant 26 : i32
    %add3A_162 = vector.broadcast %add3A_161 : i32 to vector<16xi32>
    %add3A_163 = arith.addi %iota3A, %add3A_162 : vector<16xi32>
    %and3A_164 = arith.constant 31 : i32
    %and3A_165 = vector.broadcast %and3A_164 : i32 to vector<16xi32>
    %and3A_166 = arith.andi %add3A_163, %and3A_165 : vector<16xi32>
    %add3A_167 = arith.constant 27 : i32
    %add3A_168 = vector.broadcast %add3A_167 : i32 to vector<16xi32>
    %add3A_169 = arith.addi %iota3A, %add3A_168 : vector<16xi32>
    %and3A_170 = arith.constant 31 : i32
    %and3A_171 = vector.broadcast %and3A_170 : i32 to vector<16xi32>
    %and3A_172 = arith.andi %add3A_169, %and3A_171 : vector<16xi32>
    %add3A_173 = arith.constant 28 : i32
    %add3A_174 = vector.broadcast %add3A_173 : i32 to vector<16xi32>
    %add3A_175 = arith.addi %iota3A, %add3A_174 : vector<16xi32>
    %and3A_176 = arith.constant 31 : i32
    %and3A_177 = vector.broadcast %and3A_176 : i32 to vector<16xi32>
    %and3A_178 = arith.andi %add3A_175, %and3A_177 : vector<16xi32>
    %add3A_179 = arith.constant 29 : i32
    %add3A_180 = vector.broadcast %add3A_179 : i32 to vector<16xi32>
    %add3A_181 = arith.addi %iota3A, %add3A_180 : vector<16xi32>
    %and3A_182 = arith.constant 31 : i32
    %and3A_183 = vector.broadcast %and3A_182 : i32 to vector<16xi32>
    %and3A_184 = arith.andi %add3A_181, %and3A_183 : vector<16xi32>
    %add3A_185 = arith.constant 30 : i32
    %add3A_186 = vector.broadcast %add3A_185 : i32 to vector<16xi32>
    %add3A_187 = arith.addi %iota3A, %add3A_186 : vector<16xi32>
    %and3A_188 = arith.constant 31 : i32
    %and3A_189 = vector.broadcast %and3A_188 : i32 to vector<16xi32>
    %and3A_190 = arith.andi %add3A_187, %and3A_189 : vector<16xi32>
    %add3A_191 = arith.constant 31 : i32
    %add3A_192 = vector.broadcast %add3A_191 : i32 to vector<16xi32>
    %add3A_193 = arith.addi %iota3A, %add3A_192 : vector<16xi32>
    %and3A_194 = arith.constant 31 : i32
    %and3A_195 = vector.broadcast %and3A_194 : i32 to vector<16xi32>
    %and3A_196 = arith.andi %add3A_193, %and3A_195 : vector<16xi32>
    %scan3A = arith.constant 0 : i32
    %scan3A_197 = arith.constant 4 : i32
    %scan3A_198 = arith.addi %scan3A, %scan3A_197 : i32
    %scan3A_199 = arith.constant 1 : i32
    scf.for %scan3A_211 = %scan3A to %scan3A_198 step %scan3A_199  : i32 {
      %mul3A_212 = arith.constant 1 : i32
      %mul3A_213 = arith.muli %scan3A_211, %mul3A_212 : i32
      %add3A_214 = arith.constant 0 : i32
      %add3A_215 = arith.addi %add3A_214, %mul3A_213 : i32
      %add3A_216 = arith.addi %mul3A_2, %add3A_215 : i32
      %dma_start3A = arith.constant 0 : i32
      %dma_start3A_217 = tpu.memref_slice %arg6[%add3A_215, %dma_start3A] : memref<4x200xi32, #tpu.memory_space<vmem>> -> memref<1x200xi32, #tpu.memory_space<vmem>>
      %dma_start3A_218 = arith.constant 0 : i32
      %dma_start3A_219 = tpu.memref_slice %arg2[%add3A_216, %dma_start3A_218] : memref<16384x200xi32, #tpu.memory_space<hbm>> -> memref<1x200xi32, #tpu.memory_space<hbm>>
      %dma_start3A_220 = arith.constant 0 : i32
      %dma_start3A_221 = tpu.memref_slice %arg6[%add3A_215, %dma_start3A_220] : memref<4x200xi32, #tpu.memory_space<vmem>> -> memref<1x200xi32, #tpu.memory_space<vmem>>
      %dma_start3A_222 = arith.constant 0 : i32
      %dma_start3A_223 = tpu.memref_slice %arg2[%add3A_216, %dma_start3A_222] : memref<16384x200xi32, #tpu.memory_space<hbm>> -> memref<1x200xi32, #tpu.memory_space<hbm>>
      tpu.enqueue_dma source(%dma_start3A_223 : memref<1x200xi32, #tpu.memory_space<hbm>>) target(%dma_start3A_221 : memref<1x200xi32, #tpu.memory_space<vmem>>) target_semaphore(%arg8 : memref<!tpu.dma_semaphore, #tpu.memory_space<semaphore_mem>>)
    }
    %scan3A_200 = arith.constant 4 : i32
    %scan3A_201 = arith.constant 0 : i32
    %scan3A_202 = arith.constant 512 : i32
    %scan3A_203 = arith.addi %scan3A_201, %scan3A_202 : i32
    %scan3A_204 = arith.constant 1 : i32
    scf.for %scan3A_211 = %scan3A_201 to %scan3A_203 step %scan3A_204  : i32 {
      %mul3A_212 = arith.constant 1 : i32
      %mul3A_213 = arith.muli %scan3A_211, %mul3A_212 : i32
      %add3A_214 = arith.constant 0 : i32
      %add3A_215 = arith.addi %add3A_214, %mul3A_213 : i32
      %rem3A = arith.constant 4 : i32
      %rem3A_216 = arith.remsi %add3A_215, %rem3A : i32
      %dma_wait3A = arith.constant 0 : i32
      %dma_wait3A_217 = tpu.memref_slice %arg6[%rem3A_216, %dma_wait3A] : memref<4x200xi32, #tpu.memory_space<vmem>> -> memref<1x200xi32, #tpu.memory_space<vmem>>
      %dma_wait3A_218 = arith.constant 0 : i32
      %dma_wait3A_219 = tpu.memref_slice %arg2[%mul3A_2, %dma_wait3A_218] : memref<16384x200xi32, #tpu.memory_space<hbm>> -> memref<1x200xi32, #tpu.memory_space<hbm>>
      %dma_wait3A_220 = arith.constant 0 : i32
      %dma_wait3A_221 = tpu.memref_slice %arg6[%rem3A_216, %dma_wait3A_220] : memref<4x200xi32, #tpu.memory_space<vmem>> -> memref<1x200xi32, #tpu.memory_space<vmem>>
      %dma_wait3A_222 = arith.constant 0 : i32
      %dma_wait3A_223 = tpu.memref_slice %arg2[%mul3A_2, %dma_wait3A_222] : memref<16384x200xi32, #tpu.memory_space<hbm>> -> memref<1x200xi32, #tpu.memory_space<hbm>>
      tpu.wait_dma2 semaphore(%arg8 : memref<!tpu.dma_semaphore, #tpu.memory_space<semaphore_mem>>) src(%dma_wait3A_223 : memref<1x200xi32, #tpu.memory_space<hbm>>) dst(%dma_wait3A_221 : memref<1x200xi32, #tpu.memory_space<vmem>>)
      %ge3A = arith.constant 4 : i32
      %ge3A_224 = arith.cmpi sge, %add3A_215, %ge3A : i32
      %convert_element_type3A = arith.extui %ge3A_224 : i1 to i32
      %cond3A = arith.constant 0 : i32
      %cond3A_225 = arith.cmpi ne, %convert_element_type3A, %cond3A : i32
      scf.if %cond3A_225 {
        %dma_wait3A_413 = arith.constant 0 : i32
        %dma_wait3A_414 = arith.constant 0 : i32
        %dma_wait3A_415 = tpu.memref_slice %arg7[%rem3A_216, %dma_wait3A_413, %dma_wait3A_414] : memref<4x200x32xf32, #tpu.memory_space<vmem>> -> memref<1x200x32xf32, #tpu.memory_space<vmem>>
        %dma_wait3A_416 = arith.constant 0 : i32
        %dma_wait3A_417 = arith.constant 0 : i32
        %dma_wait3A_418 = tpu.memref_slice %arg4[%mul3A_2, %dma_wait3A_416, %dma_wait3A_417] : memref<16384x200x32xf32, #tpu.memory_space<hbm>> -> memref<1x200x32xf32, #tpu.memory_space<hbm>>
        %dma_wait3A_419 = arith.constant 0 : i32
        %dma_wait3A_420 = arith.constant 0 : i32
        %dma_wait3A_421 = tpu.memref_slice %arg4[%mul3A_2, %dma_wait3A_419, %dma_wait3A_420] : memref<16384x200x32xf32, #tpu.memory_space<hbm>> -> memref<1x200x32xf32, #tpu.memory_space<hbm>>
        %dma_wait3A_422 = arith.constant 0 : i32
        %dma_wait3A_423 = arith.constant 0 : i32
        %dma_wait3A_424 = tpu.memref_slice %arg7[%rem3A_216, %dma_wait3A_422, %dma_wait3A_423] : memref<4x200x32xf32, #tpu.memory_space<vmem>> -> memref<1x200x32xf32, #tpu.memory_space<vmem>>
        tpu.wait_dma2 semaphore(%arg9 : memref<!tpu.dma_semaphore, #tpu.memory_space<semaphore_mem>>) src(%dma_wait3A_424 : memref<1x200x32xf32, #tpu.memory_space<vmem>>) dst(%dma_wait3A_421 : memref<1x200x32xf32, #tpu.memory_space<hbm>>)
      } else {
      }
      %scan3A_226 = arith.constant 0 : i32
      %scan3A_227 = arith.constant 12 : i32
      %scan3A_228 = arith.addi %scan3A_226, %scan3A_227 : i32
      %scan3A_229 = arith.constant 1 : i32
      scf.for %scan3A_413 = %scan3A_226 to %scan3A_228 step %scan3A_229  : i32 {
        %mul3A_414 = arith.constant 1 : i32
        %mul3A_415 = arith.muli %scan3A_413, %mul3A_414 : i32
        %add3A_416 = arith.constant 0 : i32
        %add3A_417 = arith.addi %add3A_416, %mul3A_415 : i32
        %mul3A_418 = arith.constant 16 : i32
        %mul3A_419 = arith.muli %add3A_417, %mul3A_418 : i32
        %get3A_420 = arith.index_cast %rem3A_216 : i32 to index
        %get3A_421 = arith.index_cast %mul3A_419 : i32 to index
        %get3A_422 = tpu.vector_load %arg6[%get3A_420, %get3A_421] {strides = array<i32>} : memref<4x200xi32, #tpu.memory_space<vmem>>, vector<16xi32>,
        %mul3A_423 = arith.constant 32 : i32
        %mul3A_424 = vector.broadcast %mul3A_423 : i32 to vector<16xi32>
        %mul3A_425 = arith.muli %get3A_422, %mul3A_424 : vector<16xi32>
        %add3A_426 = vector.broadcast %mul3A_419 : i32 to vector<16xi32>
        %add3A_427 = arith.addi %iota3A, %add3A_426 : vector<16xi32>
        %add3A_428 = arith.addi %mul3A_425, %and3A_10 : vector<16xi32>
        %gather3A_429 = tpu.vector_load_idx %arg5[%add3A_428] : memref<6400xf32, #tpu.memory_space<vmem>>[vector<16xi32>], vector<16xf32>,
        %add3A_430 = arith.addi %mul3A_425, %and3A_16 : vector<16xi32>
        %gather3A_431 = tpu.vector_load_idx %arg5[%add3A_430] : memref<6400xf32, #tpu.memory_space<vmem>>[vector<16xi32>], vector<16xf32>,
        %add3A_432 = arith.addi %mul3A_425, %and3A_22 : vector<16xi32>
        %gather3A_433 = tpu.vector_load_idx %arg5[%add3A_432] : memref<6400xf32, #tpu.memory_space<vmem>>[vector<16xi32>], vector<16xf32>,
        %add3A_434 = arith.addi %mul3A_425, %and3A_28 : vector<16xi32>
        %gather3A_435 = tpu.vector_load_idx %arg5[%add3A_434] : memref<6400xf32, #tpu.memory_space<vmem>>[vector<16xi32>], vector<16xf32>,
        %add3A_436 = arith.addi %mul3A_425, %and3A_34 : vector<16xi32>
        %gather3A_437 = tpu.vector_load_idx %arg5[%add3A_436] : memref<6400xf32, #tpu.memory_space<vmem>>[vector<16xi32>], vector<16xf32>,
        %scatter3A_438 = arith.constant 0 : i32
        %scatter3A_439 = arith.constant 0 : i32
        %scatter3A_440 = tpu.memref_slice %arg7[%rem3A_216, %scatter3A_438, %scatter3A_439] : memref<4x200x32xf32, #tpu.memory_space<vmem>> -> memref<1x200x32xf32, #tpu.memory_space<vmem>>
        tpu.vector_store_idx %scatter3A_440[%mul3A_5, %add3A_427, %and3A_10], %gather3A_429 : memref<1x200x32xf32, #tpu.memory_space<vmem>>[vector<16xi32>, vector<16xi32>, vector<16xi32>], vector<16xf32>,
        %add3A_441 = arith.addi %mul3A_425, %and3A_40 : vector<16xi32>
        %gather3A_442 = tpu.vector_load_idx %arg5[%add3A_441] : memref<6400xf32, #tpu.memory_space<vmem>>[vector<16xi32>], vector<16xf32>,
        %scatter3A_443 = arith.constant 0 : i32
        %scatter3A_444 = arith.constant 0 : i32
        %scatter3A_445 = tpu.memref_slice %arg7[%rem3A_216, %scatter3A_443, %scatter3A_444] : memref<4x200x32xf32, #tpu.memory_space<vmem>> -> memref<1x200x32xf32, #tpu.memory_space<vmem>>
        tpu.vector_store_idx %scatter3A_445[%mul3A_5, %add3A_427, %and3A_16], %gather3A_431 : memref<1x200x32xf32, #tpu.memory_space<vmem>>[vector<16xi32>, vector<16xi32>, vector<16xi32>], vector<16xf32>,
        %add3A_446 = arith.addi %mul3A_425, %and3A_46 : vector<16xi32>
        %gather3A_447 = tpu.vector_load_idx %arg5[%add3A_446] : memref<6400xf32, #tpu.memory_space<vmem>>[vector<16xi32>], vector<16xf32>,
        %scatter3A_448 = arith.constant 0 : i32
        %scatter3A_449 = arith.constant 0 : i32
        %scatter3A_450 = tpu.memref_slice %arg7[%rem3A_216, %scatter3A_448, %scatter3A_449] : memref<4x200x32xf32, #tpu.memory_space<vmem>> -> memref<1x200x32xf32, #tpu.memory_space<vmem>>
        tpu.vector_store_idx %scatter3A_450[%mul3A_5, %add3A_427, %and3A_22], %gather3A_433 : memref<1x200x32xf32, #tpu.memory_space<vmem>>[vector<16xi32>, vector<16xi32>, vector<16xi32>], vector<16xf32>,
        %add3A_451 = arith.addi %mul3A_425, %and3A_52 : vector<16xi32>
        %gather3A_452 = tpu.vector_load_idx %arg5[%add3A_451] : memref<6400xf32, #tpu.memory_space<vmem>>[vector<16xi32>], vector<16xf32>,
        %scatter3A_453 = arith.constant 0 : i32
        %scatter3A_454 = arith.constant 0 : i32
        %scatter3A_455 = tpu.memref_slice %arg7[%rem3A_216, %scatter3A_453, %scatter3A_454] : memref<4x200x32xf32, #tpu.memory_space<vmem>> -> memref<1x200x32xf32, #tpu.memory_space<vmem>>
        tpu.vector_store_idx %scatter3A_455[%mul3A_5, %add3A_427, %and3A_28], %gather3A_435 : memref<1x200x32xf32, #tpu.memory_space<vmem>>[vector<16xi32>, vector<16xi32>, vector<16xi32>], vector<16xf32>,
        %add3A_456 = arith.addi %mul3A_425, %and3A_58 : vector<16xi32>
        %gather3A_457 = tpu.vector_load_idx %arg5[%add3A_456] : memref<6400xf32, #tpu.memory_space<vmem>>[vector<16xi32>], vector<16xf32>,
        %scatter3A_458 = arith.constant 0 : i32
        %scatter3A_459 = arith.constant 0 : i32
        %scatter3A_460 = tpu.memref_slice %arg7[%rem3A_216, %scatter3A_458, %scatter3A_459] : memref<4x200x32xf32, #tpu.memory_space<vmem>> -> memref<1x200x32xf32, #tpu.memory_space<vmem>>
        tpu.vector_store_idx %scatter3A_460[%mul3A_5, %add3A_427, %and3A_34], %gather3A_437 : memref<1x200x32xf32, #tpu.memory_space<vmem>>[vector<16xi32>, vector<16xi32>, vector<16xi32>], vector<16xf32>,
        %add3A_461 = arith.addi %mul3A_425, %and3A_64 : vector<16xi32>
        %gather3A_462 = tpu.vector_load_idx %arg5[%add3A_461] : memref<6400xf32, #tpu.memory_space<vmem>>[vector<16xi32>], vector<16xf32>,
        %scatter3A_463 = arith.constant 0 : i32
        %scatter3A_464 = arith.constant 0 : i32
        %scatter3A_465 = tpu.memref_slice %arg7[%rem3A_216, %scatter3A_463, %scatter3A_464] : memref<4x200x32xf32, #tpu.memory_space<vmem>> -> memref<1x200x32xf32, #tpu.memory_space<vmem>>
        tpu.vector_store_idx %scatter3A_465[%mul3A_5, %add3A_427, %and3A_40], %gather3A_442 : memref<1x200x32xf32, #tpu.memory_space<vmem>>[vector<16xi32>, vector<16xi32>, vector<16xi32>], vector<16xf32>,
        %add3A_466 = arith.addi %mul3A_425, %and3A_70 : vector<16xi32>
        %gather3A_467 = tpu.vector_load_idx %arg5[%add3A_466] : memref<6400xf32, #tpu.memory_space<vmem>>[vector<16xi32>], vector<16xf32>,
        %scatter3A_468 = arith.constant 0 : i32
        %scatter3A_469 = arith.constant 0 : i32
        %scatter3A_470 = tpu.memref_slice %arg7[%rem3A_216, %scatter3A_468, %scatter3A_469] : memref<4x200x32xf32, #tpu.memory_space<vmem>> -> memref<1x200x32xf32, #tpu.memory_space<vmem>>
        tpu.vector_store_idx %scatter3A_470[%mul3A_5, %add3A_427, %and3A_46], %gather3A_447 : memref<1x200x32xf32, #tpu.memory_space<vmem>>[vector<16xi32>, vector<16xi32>, vector<16xi32>], vector<16xf32>,
        %add3A_471 = arith.addi %mul3A_425, %and3A_76 : vector<16xi32>
        %gather3A_472 = tpu.vector_load_idx %arg5[%add3A_471] : memref<6400xf32, #tpu.memory_space<vmem>>[vector<16xi32>], vector<16xf32>,
        %scatter3A_473 = arith.constant 0 : i32
        %scatter3A_474 = arith.constant 0 : i32
        %scatter3A_475 = tpu.memref_slice %arg7[%rem3A_216, %scatter3A_473, %scatter3A_474] : memref<4x200x32xf32, #tpu.memory_space<vmem>> -> memref<1x200x32xf32, #tpu.memory_space<vmem>>
        tpu.vector_store_idx %scatter3A_475[%mul3A_5, %add3A_427, %and3A_52], %gather3A_452 : memref<1x200x32xf32, #tpu.memory_space<vmem>>[vector<16xi32>, vector<16xi32>, vector<16xi32>], vector<16xf32>,
        %add3A_476 = arith.addi %mul3A_425, %and3A_82 : vector<16xi32>
        %gather3A_477 = tpu.vector_load_idx %arg5[%add3A_476] : memref<6400xf32, #tpu.memory_space<vmem>>[vector<16xi32>], vector<16xf32>,
        %scatter3A_478 = arith.constant 0 : i32
        %scatter3A_479 = arith.constant 0 : i32
        %scatter3A_480 = tpu.memref_slice %arg7[%rem3A_216, %scatter3A_478, %scatter3A_479] : memref<4x200x32xf32, #tpu.memory_space<vmem>> -> memref<1x200x32xf32, #tpu.memory_space<vmem>>
        tpu.vector_store_idx %scatter3A_480[%mul3A_5, %add3A_427, %and3A_58], %gather3A_457 : memref<1x200x32xf32, #tpu.memory_space<vmem>>[vector<16xi32>, vector<16xi32>, vector<16xi32>], vector<16xf32>,
        %add3A_481 = arith.addi %mul3A_425, %and3A_88 : vector<16xi32>
        %gather3A_482 = tpu.vector_load_idx %arg5[%add3A_481] : memref<6400xf32, #tpu.memory_space<vmem>>[vector<16xi32>], vector<16xf32>,
        %scatter3A_483 = arith.constant 0 : i32
        %scatter3A_484 = arith.constant 0 : i32
        %scatter3A_485 = tpu.memref_slice %arg7[%rem3A_216, %scatter3A_483, %scatter3A_484] : memref<4x200x32xf32, #tpu.memory_space<vmem>> -> memref<1x200x32xf32, #tpu.memory_space<vmem>>
        tpu.vector_store_idx %scatter3A_485[%mul3A_5, %add3A_427, %and3A_64], %gather3A_462 : memref<1x200x32xf32, #tpu.memory_space<vmem>>[vector<16xi32>, vector<16xi32>, vector<16xi32>], vector<16xf32>,
        %add3A_486 = arith.addi %mul3A_425, %and3A_94 : vector<16xi32>
        %gather3A_487 = tpu.vector_load_idx %arg5[%add3A_486] : memref<6400xf32, #tpu.memory_space<vmem>>[vector<16xi32>], vector<16xf32>,
        %scatter3A_488 = arith.constant 0 : i32
        %scatter3A_489 = arith.constant 0 : i32
        %scatter3A_490 = tpu.memref_slice %arg7[%rem3A_216, %scatter3A_488, %scatter3A_489] : memref<4x200x32xf32, #tpu.memory_space<vmem>> -> memref<1x200x32xf32, #tpu.memory_space<vmem>>
        tpu.vector_store_idx %scatter3A_490[%mul3A_5, %add3A_427, %and3A_70], %gather3A_467 : memref<1x200x32xf32, #tpu.memory_space<vmem>>[vector<16xi32>, vector<16xi32>, vector<16xi32>], vector<16xf32>,
        %add3A_491 = arith.addi %mul3A_425, %and3A_100 : vector<16xi32>
        %gather3A_492 = tpu.vector_load_idx %arg5[%add3A_491] : memref<6400xf32, #tpu.memory_space<vmem>>[vector<16xi32>], vector<16xf32>,
        %scatter3A_493 = arith.constant 0 : i32
        %scatter3A_494 = arith.constant 0 : i32
        %scatter3A_495 = tpu.memref_slice %arg7[%rem3A_216, %scatter3A_493, %scatter3A_494] : memref<4x200x32xf32, #tpu.memory_space<vmem>> -> memref<1x200x32xf32, #tpu.memory_space<vmem>>
        tpu.vector_store_idx %scatter3A_495[%mul3A_5, %add3A_427, %and3A_76], %gather3A_472 : memref<1x200x32xf32, #tpu.memory_space<vmem>>[vector<16xi32>, vector<16xi32>, vector<16xi32>], vector<16xf32>,
        %add3A_496 = arith.addi %mul3A_425, %and3A_106 : vector<16xi32>
        %gather3A_497 = tpu.vector_load_idx %arg5[%add3A_496] : memref<6400xf32, #tpu.memory_space<vmem>>[vector<16xi32>], vector<16xf32>,
        %scatter3A_498 = arith.constant 0 : i32
        %scatter3A_499 = arith.constant 0 : i32
        %scatter3A_500 = tpu.memref_slice %arg7[%rem3A_216, %scatter3A_498, %scatter3A_499] : memref<4x200x32xf32, #tpu.memory_space<vmem>> -> memref<1x200x32xf32, #tpu.memory_space<vmem>>
        tpu.vector_store_idx %scatter3A_500[%mul3A_5, %add3A_427, %and3A_82], %gather3A_477 : memref<1x200x32xf32, #tpu.memory_space<vmem>>[vector<16xi32>, vector<16xi32>, vector<16xi32>], vector<16xf32>,
        %add3A_501 = arith.addi %mul3A_425, %and3A_112 : vector<16xi32>
        %gather3A_502 = tpu.vector_load_idx %arg5[%add3A_501] : memref<6400xf32, #tpu.memory_space<vmem>>[vector<16xi32>], vector<16xf32>,
        %scatter3A_503 = arith.constant 0 : i32
        %scatter3A_504 = arith.constant 0 : i32
        %scatter3A_505 = tpu.memref_slice %arg7[%rem3A_216, %scatter3A_503, %scatter3A_504] : memref<4x200x32xf32, #tpu.memory_space<vmem>> -> memref<1x200x32xf32, #tpu.memory_space<vmem>>
        tpu.vector_store_idx %scatter3A_505[%mul3A_5, %add3A_427, %and3A_88], %gather3A_482 : memref<1x200x32xf32, #tpu.memory_space<vmem>>[vector<16xi32>, vector<16xi32>, vector<16xi32>], vector<16xf32>,
        %add3A_506 = arith.addi %mul3A_425, %and3A_118 : vector<16xi32>
        %gather3A_507 = tpu.vector_load_idx %arg5[%add3A_506] : memref<6400xf32, #tpu.memory_space<vmem>>[vector<16xi32>], vector<16xf32>,
        %scatter3A_508 = arith.constant 0 : i32
        %scatter3A_509 = arith.constant 0 : i32
        %scatter3A_510 = tpu.memref_slice %arg7[%rem3A_216, %scatter3A_508, %scatter3A_509] : memref<4x200x32xf32, #tpu.memory_space<vmem>> -> memref<1x200x32xf32, #tpu.memory_space<vmem>>
        tpu.vector_store_idx %scatter3A_510[%mul3A_5, %add3A_427, %and3A_94], %gather3A_487 : memref<1x200x32xf32, #tpu.memory_space<vmem>>[vector<16xi32>, vector<16xi32>, vector<16xi32>], vector<16xf32>,
        %add3A_511 = arith.addi %mul3A_425, %and3A_124 : vector<16xi32>
        %gather3A_512 = tpu.vector_load_idx %arg5[%add3A_511] : memref<6400xf32, #tpu.memory_space<vmem>>[vector<16xi32>], vector<16xf32>,
        %scatter3A_513 = arith.constant 0 : i32
        %scatter3A_514 = arith.constant 0 : i32
        %scatter3A_515 = tpu.memref_slice %arg7[%rem3A_216, %scatter3A_513, %scatter3A_514] : memref<4x200x32xf32, #tpu.memory_space<vmem>> -> memref<1x200x32xf32, #tpu.memory_space<vmem>>
        tpu.vector_store_idx %scatter3A_515[%mul3A_5, %add3A_427, %and3A_100], %gather3A_492 : memref<1x200x32xf32, #tpu.memory_space<vmem>>[vector<16xi32>, vector<16xi32>, vector<16xi32>], vector<16xf32>,
        %add3A_516 = arith.addi %mul3A_425, %and3A_130 : vector<16xi32>
        %gather3A_517 = tpu.vector_load_idx %arg5[%add3A_516] : memref<6400xf32, #tpu.memory_space<vmem>>[vector<16xi32>], vector<16xf32>,
        %scatter3A_518 = arith.constant 0 : i32
        %scatter3A_519 = arith.constant 0 : i32
        %scatter3A_520 = tpu.memref_slice %arg7[%rem3A_216, %scatter3A_518, %scatter3A_519] : memref<4x200x32xf32, #tpu.memory_space<vmem>> -> memref<1x200x32xf32, #tpu.memory_space<vmem>>
        tpu.vector_store_idx %scatter3A_520[%mul3A_5, %add3A_427, %and3A_106], %gather3A_497 : memref<1x200x32xf32, #tpu.memory_space<vmem>>[vector<16xi32>, vector<16xi32>, vector<16xi32>], vector<16xf32>,
        %add3A_521 = arith.addi %mul3A_425, %and3A_136 : vector<16xi32>
        %gather3A_522 = tpu.vector_load_idx %arg5[%add3A_521] : memref<6400xf32, #tpu.memory_space<vmem>>[vector<16xi32>], vector<16xf32>,
        %scatter3A_523 = arith.constant 0 : i32
        %scatter3A_524 = arith.constant 0 : i32
        %scatter3A_525 = tpu.memref_slice %arg7[%rem3A_216, %scatter3A_523, %scatter3A_524] : memref<4x200x32xf32, #tpu.memory_space<vmem>> -> memref<1x200x32xf32, #tpu.memory_space<vmem>>
        tpu.vector_store_idx %scatter3A_525[%mul3A_5, %add3A_427, %and3A_112], %gather3A_502 : memref<1x200x32xf32, #tpu.memory_space<vmem>>[vector<16xi32>, vector<16xi32>, vector<16xi32>], vector<16xf32>,
        %add3A_526 = arith.addi %mul3A_425, %and3A_142 : vector<16xi32>
        %gather3A_527 = tpu.vector_load_idx %arg5[%add3A_526] : memref<6400xf32, #tpu.memory_space<vmem>>[vector<16xi32>], vector<16xf32>,
        %scatter3A_528 = arith.constant 0 : i32
        %scatter3A_529 = arith.constant 0 : i32
        %scatter3A_530 = tpu.memref_slice %arg7[%rem3A_216, %scatter3A_528, %scatter3A_529] : memref<4x200x32xf32, #tpu.memory_space<vmem>> -> memref<1x200x32xf32, #tpu.memory_space<vmem>>
        tpu.vector_store_idx %scatter3A_530[%mul3A_5, %add3A_427, %and3A_118], %gather3A_507 : memref<1x200x32xf32, #tpu.memory_space<vmem>>[vector<16xi32>, vector<16xi32>, vector<16xi32>], vector<16xf32>,
        %add3A_531 = arith.addi %mul3A_425, %and3A_148 : vector<16xi32>
        %gather3A_532 = tpu.vector_load_idx %arg5[%add3A_531] : memref<6400xf32, #tpu.memory_space<vmem>>[vector<16xi32>], vector<16xf32>,
        %scatter3A_533 = arith.constant 0 : i32
        %scatter3A_534 = arith.constant 0 : i32
        %scatter3A_535 = tpu.memref_slice %arg7[%rem3A_216, %scatter3A_533, %scatter3A_534] : memref<4x200x32xf32, #tpu.memory_space<vmem>> -> memref<1x200x32xf32, #tpu.memory_space<vmem>>
        tpu.vector_store_idx %scatter3A_535[%mul3A_5, %add3A_427, %and3A_124], %gather3A_512 : memref<1x200x32xf32, #tpu.memory_space<vmem>>[vector<16xi32>, vector<16xi32>, vector<16xi32>], vector<16xf32>,
        %add3A_536 = arith.addi %mul3A_425, %and3A_154 : vector<16xi32>
        %gather3A_537 = tpu.vector_load_idx %arg5[%add3A_536] : memref<6400xf32, #tpu.memory_space<vmem>>[vector<16xi32>], vector<16xf32>,
        %scatter3A_538 = arith.constant 0 : i32
        %scatter3A_539 = arith.constant 0 : i32
        %scatter3A_540 = tpu.memref_slice %arg7[%rem3A_216, %scatter3A_538, %scatter3A_539] : memref<4x200x32xf32, #tpu.memory_space<vmem>> -> memref<1x200x32xf32, #tpu.memory_space<vmem>>
        tpu.vector_store_idx %scatter3A_540[%mul3A_5, %add3A_427, %and3A_130], %gather3A_517 : memref<1x200x32xf32, #tpu.memory_space<vmem>>[vector<16xi32>, vector<16xi32>, vector<16xi32>], vector<16xf32>,
        %add3A_541 = arith.addi %mul3A_425, %and3A_160 : vector<16xi32>
        %gather3A_542 = tpu.vector_load_idx %arg5[%add3A_541] : memref<6400xf32, #tpu.memory_space<vmem>>[vector<16xi32>], vector<16xf32>,
        %scatter3A_543 = arith.constant 0 : i32
        %scatter3A_544 = arith.constant 0 : i32
        %scatter3A_545 = tpu.memref_slice %arg7[%rem3A_216, %scatter3A_543, %scatter3A_544] : memref<4x200x32xf32, #tpu.memory_space<vmem>> -> memref<1x200x32xf32, #tpu.memory_space<vmem>>
        tpu.vector_store_idx %scatter3A_545[%mul3A_5, %add3A_427, %and3A_136], %gather3A_522 : memref<1x200x32xf32, #tpu.memory_space<vmem>>[vector<16xi32>, vector<16xi32>, vector<16xi32>], vector<16xf32>,
        %add3A_546 = arith.addi %mul3A_425, %and3A_166 : vector<16xi32>
        %gather3A_547 = tpu.vector_load_idx %arg5[%add3A_546] : memref<6400xf32, #tpu.memory_space<vmem>>[vector<16xi32>], vector<16xf32>,
        %scatter3A_548 = arith.constant 0 : i32
        %scatter3A_549 = arith.constant 0 : i32
        %scatter3A_550 = tpu.memref_slice %arg7[%rem3A_216, %scatter3A_548, %scatter3A_549] : memref<4x200x32xf32, #tpu.memory_space<vmem>> -> memref<1x200x32xf32, #tpu.memory_space<vmem>>
        tpu.vector_store_idx %scatter3A_550[%mul3A_5, %add3A_427, %and3A_142], %gather3A_527 : memref<1x200x32xf32, #tpu.memory_space<vmem>>[vector<16xi32>, vector<16xi32>, vector<16xi32>], vector<16xf32>,
        %add3A_551 = arith.addi %mul3A_425, %and3A_172 : vector<16xi32>
        %gather3A_552 = tpu.vector_load_idx %arg5[%add3A_551] : memref<6400xf32, #tpu.memory_space<vmem>>[vector<16xi32>], vector<16xf32>,
        %scatter3A_553 = arith.constant 0 : i32
        %scatter3A_554 = arith.constant 0 : i32
        %scatter3A_555 = tpu.memref_slice %arg7[%rem3A_216, %scatter3A_553, %scatter3A_554] : memref<4x200x32xf32, #tpu.memory_space<vmem>> -> memref<1x200x32xf32, #tpu.memory_space<vmem>>
        tpu.vector_store_idx %scatter3A_555[%mul3A_5, %add3A_427, %and3A_148], %gather3A_532 : memref<1x200x32xf32, #tpu.memory_space<vmem>>[vector<16xi32>, vector<16xi32>, vector<16xi32>], vector<16xf32>,
        %add3A_556 = arith.addi %mul3A_425, %and3A_178 : vector<16xi32>
        %gather3A_557 = tpu.vector_load_idx %arg5[%add3A_556] : memref<6400xf32, #tpu.memory_space<vmem>>[vector<16xi32>], vector<16xf32>,
        %scatter3A_558 = arith.constant 0 : i32
        %scatter3A_559 = arith.constant 0 : i32
        %scatter3A_560 = tpu.memref_slice %arg7[%rem3A_216, %scatter3A_558, %scatter3A_559] : memref<4x200x32xf32, #tpu.memory_space<vmem>> -> memref<1x200x32xf32, #tpu.memory_space<vmem>>
        tpu.vector_store_idx %scatter3A_560[%mul3A_5, %add3A_427, %and3A_154], %gather3A_537 : memref<1x200x32xf32, #tpu.memory_space<vmem>>[vector<16xi32>, vector<16xi32>, vector<16xi32>], vector<16xf32>,
        %add3A_561 = arith.addi %mul3A_425, %and3A_184 : vector<16xi32>
        %gather3A_562 = tpu.vector_load_idx %arg5[%add3A_561] : memref<6400xf32, #tpu.memory_space<vmem>>[vector<16xi32>], vector<16xf32>,
        %scatter3A_563 = arith.constant 0 : i32
        %scatter3A_564 = arith.constant 0 : i32
        %scatter3A_565 = tpu.memref_slice %arg7[%rem3A_216, %scatter3A_563, %scatter3A_564] : memref<4x200x32xf32, #tpu.memory_space<vmem>> -> memref<1x200x32xf32, #tpu.memory_space<vmem>>
        tpu.vector_store_idx %scatter3A_565[%mul3A_5, %add3A_427, %and3A_160], %gather3A_542 : memref<1x200x32xf32, #tpu.memory_space<vmem>>[vector<16xi32>, vector<16xi32>, vector<16xi32>], vector<16xf32>,
        %add3A_566 = arith.addi %mul3A_425, %and3A_190 : vector<16xi32>
        %gather3A_567 = tpu.vector_load_idx %arg5[%add3A_566] : memref<6400xf32, #tpu.memory_space<vmem>>[vector<16xi32>], vector<16xf32>,
        %scatter3A_568 = arith.constant 0 : i32
        %scatter3A_569 = arith.constant 0 : i32
        %scatter3A_570 = tpu.memref_slice %arg7[%rem3A_216, %scatter3A_568, %scatter3A_569] : memref<4x200x32xf32, #tpu.memory_space<vmem>> -> memref<1x200x32xf32, #tpu.memory_space<vmem>>
        tpu.vector_store_idx %scatter3A_570[%mul3A_5, %add3A_427, %and3A_166], %gather3A_547 : memref<1x200x32xf32, #tpu.memory_space<vmem>>[vector<16xi32>, vector<16xi32>, vector<16xi32>], vector<16xf32>,
        %add3A_571 = arith.addi %mul3A_425, %and3A_196 : vector<16xi32>
        %gather3A_572 = tpu.vector_load_idx %arg5[%add3A_571] : memref<6400xf32, #tpu.memory_space<vmem>>[vector<16xi32>], vector<16xf32>,
        %scatter3A_573 = arith.constant 0 : i32
        %scatter3A_574 = arith.constant 0 : i32
        %scatter3A_575 = tpu.memref_slice %arg7[%rem3A_216, %scatter3A_573, %scatter3A_574] : memref<4x200x32xf32, #tpu.memory_space<vmem>> -> memref<1x200x32xf32, #tpu.memory_space<vmem>>
        tpu.vector_store_idx %scatter3A_575[%mul3A_5, %add3A_427, %and3A_172], %gather3A_552 : memref<1x200x32xf32, #tpu.memory_space<vmem>>[vector<16xi32>, vector<16xi32>, vector<16xi32>], vector<16xf32>,
        %scatter3A_576 = arith.constant 0 : i32
        %scatter3A_577 = arith.constant 0 : i32
        %scatter3A_578 = tpu.memref_slice %arg7[%rem3A_216, %scatter3A_576, %scatter3A_577] : memref<4x200x32xf32, #tpu.memory_space<vmem>> -> memref<1x200x32xf32, #tpu.memory_space<vmem>>
        tpu.vector_store_idx %scatter3A_578[%mul3A_5, %add3A_427, %and3A_178], %gather3A_557 : memref<1x200x32xf32, #tpu.memory_space<vmem>>[vector<16xi32>, vector<16xi32>, vector<16xi32>], vector<16xf32>,
        %scatter3A_579 = arith.constant 0 : i32
        %scatter3A_580 = arith.constant 0 : i32
        %scatter3A_581 = tpu.memref_slice %arg7[%rem3A_216, %scatter3A_579, %scatter3A_580] : memref<4x200x32xf32, #tpu.memory_space<vmem>> -> memref<1x200x32xf32, #tpu.memory_space<vmem>>
        tpu.vector_store_idx %scatter3A_581[%mul3A_5, %add3A_427, %and3A_184], %gather3A_562 : memref<1x200x32xf32, #tpu.memory_space<vmem>>[vector<16xi32>, vector<16xi32>, vector<16xi32>], vector<16xf32>,
        %scatter3A_582 = arith.constant 0 : i32
        %scatter3A_583 = arith.constant 0 : i32
        %scatter3A_584 = tpu.memref_slice %arg7[%rem3A_216, %scatter3A_582, %scatter3A_583] : memref<4x200x32xf32, #tpu.memory_space<vmem>> -> memref<1x200x32xf32, #tpu.memory_space<vmem>>
        tpu.vector_store_idx %scatter3A_584[%mul3A_5, %add3A_427, %and3A_190], %gather3A_567 : memref<1x200x32xf32, #tpu.memory_space<vmem>>[vector<16xi32>, vector<16xi32>, vector<16xi32>], vector<16xf32>,
        %scatter3A_585 = arith.constant 0 : i32
        %scatter3A_586 = arith.constant 0 : i32
        %scatter3A_587 = tpu.memref_slice %arg7[%rem3A_216, %scatter3A_585, %scatter3A_586] : memref<4x200x32xf32, #tpu.memory_space<vmem>> -> memref<1x200x32xf32, #tpu.memory_space<vmem>>
        tpu.vector_store_idx %scatter3A_587[%mul3A_5, %add3A_427, %and3A_196], %gather3A_572 : memref<1x200x32xf32, #tpu.memory_space<vmem>>[vector<16xi32>, vector<16xi32>, vector<16xi32>], vector<16xf32>,
      }
      %scan3A_230 = arith.constant 12 : i32
      %get3A = arith.index_cast %rem3A_216 : i32 to index
      %get3A_231 = arith.constant 184 : index
      %get3A_232 = tpu.vector_load %arg6[%get3A, %get3A_231] {strides = array<i32>} : memref<4x200xi32, #tpu.memory_space<vmem>>, vector<16xi32>,
      %mul3A_233 = arith.constant 32 : i32
      %mul3A_234 = vector.broadcast %mul3A_233 : i32 to vector<16xi32>
      %mul3A_235 = arith.muli %get3A_232, %mul3A_234 : vector<16xi32>
      %add3A_236 = arith.constant 184 : i32
      %add3A_237 = vector.broadcast %add3A_236 : i32 to vector<16xi32>
      %add3A_238 = arith.addi %iota3A, %add3A_237 : vector<16xi32>
      %add3A_239 = arith.addi %mul3A_235, %and3A_10 : vector<16xi32>
      %gather3A = tpu.vector_load_idx %arg5[%add3A_239] : memref<6400xf32, #tpu.memory_space<vmem>>[vector<16xi32>], vector<16xf32>,
      %add3A_240 = arith.addi %mul3A_235, %and3A_16 : vector<16xi32>
      %gather3A_241 = tpu.vector_load_idx %arg5[%add3A_240] : memref<6400xf32, #tpu.memory_space<vmem>>[vector<16xi32>], vector<16xf32>,
      %add3A_242 = arith.addi %mul3A_235, %and3A_22 : vector<16xi32>
      %gather3A_243 = tpu.vector_load_idx %arg5[%add3A_242] : memref<6400xf32, #tpu.memory_space<vmem>>[vector<16xi32>], vector<16xf32>,
      %add3A_244 = arith.addi %mul3A_235, %and3A_28 : vector<16xi32>
      %gather3A_245 = tpu.vector_load_idx %arg5[%add3A_244] : memref<6400xf32, #tpu.memory_space<vmem>>[vector<16xi32>], vector<16xf32>,
      %add3A_246 = arith.addi %mul3A_235, %and3A_34 : vector<16xi32>
      %gather3A_247 = tpu.vector_load_idx %arg5[%add3A_246] : memref<6400xf32, #tpu.memory_space<vmem>>[vector<16xi32>], vector<16xf32>,
      %scatter3A = arith.constant 0 : i32
      %scatter3A_248 = arith.constant 0 : i32
      %scatter3A_249 = tpu.memref_slice %arg7[%rem3A_216, %scatter3A, %scatter3A_248] : memref<4x200x32xf32, #tpu.memory_space<vmem>> -> memref<1x200x32xf32, #tpu.memory_space<vmem>>
      tpu.vector_store_idx %scatter3A_249[%mul3A_5, %add3A_238, %and3A_10], %gather3A : memref<1x200x32xf32, #tpu.memory_space<vmem>>[vector<16xi32>, vector<16xi32>, vector<16xi32>], vector<16xf32>,
      %add3A_250 = arith.addi %mul3A_235, %and3A_40 : vector<16xi32>
      %gather3A_251 = tpu.vector_load_idx %arg5[%add3A_250] : memref<6400xf32, #tpu.memory_space<vmem>>[vector<16xi32>], vector<16xf32>,
      %scatter3A_252 = arith.constant 0 : i32
      %scatter3A_253 = arith.constant 0 : i32
      %scatter3A_254 = tpu.memref_slice %arg7[%rem3A_216, %scatter3A_252, %scatter3A_253] : memref<4x200x32xf32, #tpu.memory_space<vmem>> -> memref<1x200x32xf32, #tpu.memory_space<vmem>>
      tpu.vector_store_idx %scatter3A_254[%mul3A_5, %add3A_238, %and3A_16], %gather3A_241 : memref<1x200x32xf32, #tpu.memory_space<vmem>>[vector<16xi32>, vector<16xi32>, vector<16xi32>], vector<16xf32>,
      %add3A_255 = arith.addi %mul3A_235, %and3A_46 : vector<16xi32>
      %gather3A_256 = tpu.vector_load_idx %arg5[%add3A_255] : memref<6400xf32, #tpu.memory_space<vmem>>[vector<16xi32>], vector<16xf32>,
      %scatter3A_257 = arith.constant 0 : i32
      %scatter3A_258 = arith.constant 0 : i32
      %scatter3A_259 = tpu.memref_slice %arg7[%rem3A_216, %scatter3A_257, %scatter3A_258] : memref<4x200x32xf32, #tpu.memory_space<vmem>> -> memref<1x200x32xf32, #tpu.memory_space<vmem>>
      tpu.vector_store_idx %scatter3A_259[%mul3A_5, %add3A_238, %and3A_22], %gather3A_243 : memref<1x200x32xf32, #tpu.memory_space<vmem>>[vector<16xi32>, vector<16xi32>, vector<16xi32>], vector<16xf32>,
      %add3A_260 = arith.addi %mul3A_235, %and3A_52 : vector<16xi32>
      %gather3A_261 = tpu.vector_load_idx %arg5[%add3A_260] : memref<6400xf32, #tpu.memory_space<vmem>>[vector<16xi32>], vector<16xf32>,
      %scatter3A_262 = arith.constant 0 : i32
      %scatter3A_263 = arith.constant 0 : i32
      %scatter3A_264 = tpu.memref_slice %arg7[%rem3A_216, %scatter3A_262, %scatter3A_263] : memref<4x200x32xf32, #tpu.memory_space<vmem>> -> memref<1x200x32xf32, #tpu.memory_space<vmem>>
      tpu.vector_store_idx %scatter3A_264[%mul3A_5, %add3A_238, %and3A_28], %gather3A_245 : memref<1x200x32xf32, #tpu.memory_space<vmem>>[vector<16xi32>, vector<16xi32>, vector<16xi32>], vector<16xf32>,
      %add3A_265 = arith.addi %mul3A_235, %and3A_58 : vector<16xi32>
      %gather3A_266 = tpu.vector_load_idx %arg5[%add3A_265] : memref<6400xf32, #tpu.memory_space<vmem>>[vector<16xi32>], vector<16xf32>,
      %scatter3A_267 = arith.constant 0 : i32
      %scatter3A_268 = arith.constant 0 : i32
      %scatter3A_269 = tpu.memref_slice %arg7[%rem3A_216, %scatter3A_267, %scatter3A_268] : memref<4x200x32xf32, #tpu.memory_space<vmem>> -> memref<1x200x32xf32, #tpu.memory_space<vmem>>
      tpu.vector_store_idx %scatter3A_269[%mul3A_5, %add3A_238, %and3A_34], %gather3A_247 : memref<1x200x32xf32, #tpu.memory_space<vmem>>[vector<16xi32>, vector<16xi32>, vector<16xi32>], vector<16xf32>,
      %add3A_270 = arith.addi %mul3A_235, %and3A_64 : vector<16xi32>
      %gather3A_271 = tpu.vector_load_idx %arg5[%add3A_270] : memref<6400xf32, #tpu.memory_space<vmem>>[vector<16xi32>], vector<16xf32>,
      %scatter3A_272 = arith.constant 0 : i32
      %scatter3A_273 = arith.constant 0 : i32
      %scatter3A_274 = tpu.memref_slice %arg7[%rem3A_216, %scatter3A_272, %scatter3A_273] : memref<4x200x32xf32, #tpu.memory_space<vmem>> -> memref<1x200x32xf32, #tpu.memory_space<vmem>>
      tpu.vector_store_idx %scatter3A_274[%mul3A_5, %add3A_238, %and3A_40], %gather3A_251 : memref<1x200x32xf32, #tpu.memory_space<vmem>>[vector<16xi32>, vector<16xi32>, vector<16xi32>], vector<16xf32>,
      %add3A_275 = arith.addi %mul3A_235, %and3A_70 : vector<16xi32>
      %gather3A_276 = tpu.vector_load_idx %arg5[%add3A_275] : memref<6400xf32, #tpu.memory_space<vmem>>[vector<16xi32>], vector<16xf32>,
      %scatter3A_277 = arith.constant 0 : i32
      %scatter3A_278 = arith.constant 0 : i32
      %scatter3A_279 = tpu.memref_slice %arg7[%rem3A_216, %scatter3A_277, %scatter3A_278] : memref<4x200x32xf32, #tpu.memory_space<vmem>> -> memref<1x200x32xf32, #tpu.memory_space<vmem>>
      tpu.vector_store_idx %scatter3A_279[%mul3A_5, %add3A_238, %and3A_46], %gather3A_256 : memref<1x200x32xf32, #tpu.memory_space<vmem>>[vector<16xi32>, vector<16xi32>, vector<16xi32>], vector<16xf32>,
      %add3A_280 = arith.addi %mul3A_235, %and3A_76 : vector<16xi32>
      %gather3A_281 = tpu.vector_load_idx %arg5[%add3A_280] : memref<6400xf32, #tpu.memory_space<vmem>>[vector<16xi32>], vector<16xf32>,
      %scatter3A_282 = arith.constant 0 : i32
      %scatter3A_283 = arith.constant 0 : i32
      %scatter3A_284 = tpu.memref_slice %arg7[%rem3A_216, %scatter3A_282, %scatter3A_283] : memref<4x200x32xf32, #tpu.memory_space<vmem>> -> memref<1x200x32xf32, #tpu.memory_space<vmem>>
      tpu.vector_store_idx %scatter3A_284[%mul3A_5, %add3A_238, %and3A_52], %gather3A_261 : memref<1x200x32xf32, #tpu.memory_space<vmem>>[vector<16xi32>, vector<16xi32>, vector<16xi32>], vector<16xf32>,
      %add3A_285 = arith.addi %mul3A_235, %and3A_82 : vector<16xi32>
      %gather3A_286 = tpu.vector_load_idx %arg5[%add3A_285] : memref<6400xf32, #tpu.memory_space<vmem>>[vector<16xi32>], vector<16xf32>,
      %scatter3A_287 = arith.constant 0 : i32
      %scatter3A_288 = arith.constant 0 : i32
      %scatter3A_289 = tpu.memref_slice %arg7[%rem3A_216, %scatter3A_287, %scatter3A_288] : memref<4x200x32xf32, #tpu.memory_space<vmem>> -> memref<1x200x32xf32, #tpu.memory_space<vmem>>
      tpu.vector_store_idx %scatter3A_289[%mul3A_5, %add3A_238, %and3A_58], %gather3A_266 : memref<1x200x32xf32, #tpu.memory_space<vmem>>[vector<16xi32>, vector<16xi32>, vector<16xi32>], vector<16xf32>,
      %add3A_290 = arith.addi %mul3A_235, %and3A_88 : vector<16xi32>
      %gather3A_291 = tpu.vector_load_idx %arg5[%add3A_290] : memref<6400xf32, #tpu.memory_space<vmem>>[vector<16xi32>], vector<16xf32>,
      %scatter3A_292 = arith.constant 0 : i32
      %scatter3A_293 = arith.constant 0 : i32
      %scatter3A_294 = tpu.memref_slice %arg7[%rem3A_216, %scatter3A_292, %scatter3A_293] : memref<4x200x32xf32, #tpu.memory_space<vmem>> -> memref<1x200x32xf32, #tpu.memory_space<vmem>>
      tpu.vector_store_idx %scatter3A_294[%mul3A_5, %add3A_238, %and3A_64], %gather3A_271 : memref<1x200x32xf32, #tpu.memory_space<vmem>>[vector<16xi32>, vector<16xi32>, vector<16xi32>], vector<16xf32>,
      %add3A_295 = arith.addi %mul3A_235, %and3A_94 : vector<16xi32>
      %gather3A_296 = tpu.vector_load_idx %arg5[%add3A_295] : memref<6400xf32, #tpu.memory_space<vmem>>[vector<16xi32>], vector<16xf32>,
      %scatter3A_297 = arith.constant 0 : i32
      %scatter3A_298 = arith.constant 0 : i32
      %scatter3A_299 = tpu.memref_slice %arg7[%rem3A_216, %scatter3A_297, %scatter3A_298] : memref<4x200x32xf32, #tpu.memory_space<vmem>> -> memref<1x200x32xf32, #tpu.memory_space<vmem>>
      tpu.vector_store_idx %scatter3A_299[%mul3A_5, %add3A_238, %and3A_70], %gather3A_276 : memref<1x200x32xf32, #tpu.memory_space<vmem>>[vector<16xi32>, vector<16xi32>, vector<16xi32>], vector<16xf32>,
      %add3A_300 = arith.addi %mul3A_235, %and3A_100 : vector<16xi32>
      %gather3A_301 = tpu.vector_load_idx %arg5[%add3A_300] : memref<6400xf32, #tpu.memory_space<vmem>>[vector<16xi32>], vector<16xf32>,
      %scatter3A_302 = arith.constant 0 : i32
      %scatter3A_303 = arith.constant 0 : i32
      %scatter3A_304 = tpu.memref_slice %arg7[%rem3A_216, %scatter3A_302, %scatter3A_303] : memref<4x200x32xf32, #tpu.memory_space<vmem>> -> memref<1x200x32xf32, #tpu.memory_space<vmem>>
      tpu.vector_store_idx %scatter3A_304[%mul3A_5, %add3A_238, %and3A_76], %gather3A_281 : memref<1x200x32xf32, #tpu.memory_space<vmem>>[vector<16xi32>, vector<16xi32>, vector<16xi32>], vector<16xf32>,
      %add3A_305 = arith.addi %mul3A_235, %and3A_106 : vector<16xi32>
      %gather3A_306 = tpu.vector_load_idx %arg5[%add3A_305] : memref<6400xf32, #tpu.memory_space<vmem>>[vector<16xi32>], vector<16xf32>,
      %scatter3A_307 = arith.constant 0 : i32
      %scatter3A_308 = arith.constant 0 : i32
      %scatter3A_309 = tpu.memref_slice %arg7[%rem3A_216, %scatter3A_307, %scatter3A_308] : memref<4x200x32xf32, #tpu.memory_space<vmem>> -> memref<1x200x32xf32, #tpu.memory_space<vmem>>
      tpu.vector_store_idx %scatter3A_309[%mul3A_5, %add3A_238, %and3A_82], %gather3A_286 : memref<1x200x32xf32, #tpu.memory_space<vmem>>[vector<16xi32>, vector<16xi32>, vector<16xi32>], vector<16xf32>,
      %add3A_310 = arith.addi %mul3A_235, %and3A_112 : vector<16xi32>
      %gather3A_311 = tpu.vector_load_idx %arg5[%add3A_310] : memref<6400xf32, #tpu.memory_space<vmem>>[vector<16xi32>], vector<16xf32>,
      %scatter3A_312 = arith.constant 0 : i32
      %scatter3A_313 = arith.constant 0 : i32
      %scatter3A_314 = tpu.memref_slice %arg7[%rem3A_216, %scatter3A_312, %scatter3A_313] : memref<4x200x32xf32, #tpu.memory_space<vmem>> -> memref<1x200x32xf32, #tpu.memory_space<vmem>>
      tpu.vector_store_idx %scatter3A_314[%mul3A_5, %add3A_238, %and3A_88], %gather3A_291 : memref<1x200x32xf32, #tpu.memory_space<vmem>>[vector<16xi32>, vector<16xi32>, vector<16xi32>], vector<16xf32>,
      %add3A_315 = arith.addi %mul3A_235, %and3A_118 : vector<16xi32>
      %gather3A_316 = tpu.vector_load_idx %arg5[%add3A_315] : memref<6400xf32, #tpu.memory_space<vmem>>[vector<16xi32>], vector<16xf32>,
      %scatter3A_317 = arith.constant 0 : i32
      %scatter3A_318 = arith.constant 0 : i32
      %scatter3A_319 = tpu.memref_slice %arg7[%rem3A_216, %scatter3A_317, %scatter3A_318] : memref<4x200x32xf32, #tpu.memory_space<vmem>> -> memref<1x200x32xf32, #tpu.memory_space<vmem>>
      tpu.vector_store_idx %scatter3A_319[%mul3A_5, %add3A_238, %and3A_94], %gather3A_296 : memref<1x200x32xf32, #tpu.memory_space<vmem>>[vector<16xi32>, vector<16xi32>, vector<16xi32>], vector<16xf32>,
      %add3A_320 = arith.addi %mul3A_235, %and3A_124 : vector<16xi32>
      %gather3A_321 = tpu.vector_load_idx %arg5[%add3A_320] : memref<6400xf32, #tpu.memory_space<vmem>>[vector<16xi32>], vector<16xf32>,
      %scatter3A_322 = arith.constant 0 : i32
      %scatter3A_323 = arith.constant 0 : i32
      %scatter3A_324 = tpu.memref_slice %arg7[%rem3A_216, %scatter3A_322, %scatter3A_323] : memref<4x200x32xf32, #tpu.memory_space<vmem>> -> memref<1x200x32xf32, #tpu.memory_space<vmem>>
      tpu.vector_store_idx %scatter3A_324[%mul3A_5, %add3A_238, %and3A_100], %gather3A_301 : memref<1x200x32xf32, #tpu.memory_space<vmem>>[vector<16xi32>, vector<16xi32>, vector<16xi32>], vector<16xf32>,
      %add3A_325 = arith.addi %mul3A_235, %and3A_130 : vector<16xi32>
      %gather3A_326 = tpu.vector_load_idx %arg5[%add3A_325] : memref<6400xf32, #tpu.memory_space<vmem>>[vector<16xi32>], vector<16xf32>,
      %scatter3A_327 = arith.constant 0 : i32
      %scatter3A_328 = arith.constant 0 : i32
      %scatter3A_329 = tpu.memref_slice %arg7[%rem3A_216, %scatter3A_327, %scatter3A_328] : memref<4x200x32xf32, #tpu.memory_space<vmem>> -> memref<1x200x32xf32, #tpu.memory_space<vmem>>
      tpu.vector_store_idx %scatter3A_329[%mul3A_5, %add3A_238, %and3A_106], %gather3A_306 : memref<1x200x32xf32, #tpu.memory_space<vmem>>[vector<16xi32>, vector<16xi32>, vector<16xi32>], vector<16xf32>,
      %add3A_330 = arith.addi %mul3A_235, %and3A_136 : vector<16xi32>
      %gather3A_331 = tpu.vector_load_idx %arg5[%add3A_330] : memref<6400xf32, #tpu.memory_space<vmem>>[vector<16xi32>], vector<16xf32>,
      %scatter3A_332 = arith.constant 0 : i32
      %scatter3A_333 = arith.constant 0 : i32
      %scatter3A_334 = tpu.memref_slice %arg7[%rem3A_216, %scatter3A_332, %scatter3A_333] : memref<4x200x32xf32, #tpu.memory_space<vmem>> -> memref<1x200x32xf32, #tpu.memory_space<vmem>>
      tpu.vector_store_idx %scatter3A_334[%mul3A_5, %add3A_238, %and3A_112], %gather3A_311 : memref<1x200x32xf32, #tpu.memory_space<vmem>>[vector<16xi32>, vector<16xi32>, vector<16xi32>], vector<16xf32>,
      %add3A_335 = arith.addi %mul3A_235, %and3A_142 : vector<16xi32>
      %gather3A_336 = tpu.vector_load_idx %arg5[%add3A_335] : memref<6400xf32, #tpu.memory_space<vmem>>[vector<16xi32>], vector<16xf32>,
      %scatter3A_337 = arith.constant 0 : i32
      %scatter3A_338 = arith.constant 0 : i32
      %scatter3A_339 = tpu.memref_slice %arg7[%rem3A_216, %scatter3A_337, %scatter3A_338] : memref<4x200x32xf32, #tpu.memory_space<vmem>> -> memref<1x200x32xf32, #tpu.memory_space<vmem>>
      tpu.vector_store_idx %scatter3A_339[%mul3A_5, %add3A_238, %and3A_118], %gather3A_316 : memref<1x200x32xf32, #tpu.memory_space<vmem>>[vector<16xi32>, vector<16xi32>, vector<16xi32>], vector<16xf32>,
      %add3A_340 = arith.addi %mul3A_235, %and3A_148 : vector<16xi32>
      %gather3A_341 = tpu.vector_load_idx %arg5[%add3A_340] : memref<6400xf32, #tpu.memory_space<vmem>>[vector<16xi32>], vector<16xf32>,
      %scatter3A_342 = arith.constant 0 : i32
      %scatter3A_343 = arith.constant 0 : i32
      %scatter3A_344 = tpu.memref_slice %arg7[%rem3A_216, %scatter3A_342, %scatter3A_343] : memref<4x200x32xf32, #tpu.memory_space<vmem>> -> memref<1x200x32xf32, #tpu.memory_space<vmem>>
      tpu.vector_store_idx %scatter3A_344[%mul3A_5, %add3A_238, %and3A_124], %gather3A_321 : memref<1x200x32xf32, #tpu.memory_space<vmem>>[vector<16xi32>, vector<16xi32>, vector<16xi32>], vector<16xf32>,
      %add3A_345 = arith.addi %mul3A_235, %and3A_154 : vector<16xi32>
      %gather3A_346 = tpu.vector_load_idx %arg5[%add3A_345] : memref<6400xf32, #tpu.memory_space<vmem>>[vector<16xi32>], vector<16xf32>,
      %scatter3A_347 = arith.constant 0 : i32
      %scatter3A_348 = arith.constant 0 : i32
      %scatter3A_349 = tpu.memref_slice %arg7[%rem3A_216, %scatter3A_347, %scatter3A_348] : memref<4x200x32xf32, #tpu.memory_space<vmem>> -> memref<1x200x32xf32, #tpu.memory_space<vmem>>
      tpu.vector_store_idx %scatter3A_349[%mul3A_5, %add3A_238, %and3A_130], %gather3A_326 : memref<1x200x32xf32, #tpu.memory_space<vmem>>[vector<16xi32>, vector<16xi32>, vector<16xi32>], vector<16xf32>,
      %add3A_350 = arith.addi %mul3A_235, %and3A_160 : vector<16xi32>
      %gather3A_351 = tpu.vector_load_idx %arg5[%add3A_350] : memref<6400xf32, #tpu.memory_space<vmem>>[vector<16xi32>], vector<16xf32>,
      %scatter3A_352 = arith.constant 0 : i32
      %scatter3A_353 = arith.constant 0 : i32
      %scatter3A_354 = tpu.memref_slice %arg7[%rem3A_216, %scatter3A_352, %scatter3A_353] : memref<4x200x32xf32, #tpu.memory_space<vmem>> -> memref<1x200x32xf32, #tpu.memory_space<vmem>>
      tpu.vector_store_idx %scatter3A_354[%mul3A_5, %add3A_238, %and3A_136], %gather3A_331 : memref<1x200x32xf32, #tpu.memory_space<vmem>>[vector<16xi32>, vector<16xi32>, vector<16xi32>], vector<16xf32>,
      %add3A_355 = arith.addi %mul3A_235, %and3A_166 : vector<16xi32>
      %gather3A_356 = tpu.vector_load_idx %arg5[%add3A_355] : memref<6400xf32, #tpu.memory_space<vmem>>[vector<16xi32>], vector<16xf32>,
      %scatter3A_357 = arith.constant 0 : i32
      %scatter3A_358 = arith.constant 0 : i32
      %scatter3A_359 = tpu.memref_slice %arg7[%rem3A_216, %scatter3A_357, %scatter3A_358] : memref<4x200x32xf32, #tpu.memory_space<vmem>> -> memref<1x200x32xf32, #tpu.memory_space<vmem>>
      tpu.vector_store_idx %scatter3A_359[%mul3A_5, %add3A_238, %and3A_142], %gather3A_336 : memref<1x200x32xf32, #tpu.memory_space<vmem>>[vector<16xi32>, vector<16xi32>, vector<16xi32>], vector<16xf32>,
      %add3A_360 = arith.addi %mul3A_235, %and3A_172 : vector<16xi32>
      %gather3A_361 = tpu.vector_load_idx %arg5[%add3A_360] : memref<6400xf32, #tpu.memory_space<vmem>>[vector<16xi32>], vector<16xf32>,
      %scatter3A_362 = arith.constant 0 : i32
      %scatter3A_363 = arith.constant 0 : i32
      %scatter3A_364 = tpu.memref_slice %arg7[%rem3A_216, %scatter3A_362, %scatter3A_363] : memref<4x200x32xf32, #tpu.memory_space<vmem>> -> memref<1x200x32xf32, #tpu.memory_space<vmem>>
      tpu.vector_store_idx %scatter3A_364[%mul3A_5, %add3A_238, %and3A_148], %gather3A_341 : memref<1x200x32xf32, #tpu.memory_space<vmem>>[vector<16xi32>, vector<16xi32>, vector<16xi32>], vector<16xf32>,
      %add3A_365 = arith.addi %mul3A_235, %and3A_178 : vector<16xi32>
      %gather3A_366 = tpu.vector_load_idx %arg5[%add3A_365] : memref<6400xf32, #tpu.memory_space<vmem>>[vector<16xi32>], vector<16xf32>,
      %scatter3A_367 = arith.constant 0 : i32
      %scatter3A_368 = arith.constant 0 : i32
      %scatter3A_369 = tpu.memref_slice %arg7[%rem3A_216, %scatter3A_367, %scatter3A_368] : memref<4x200x32xf32, #tpu.memory_space<vmem>> -> memref<1x200x32xf32, #tpu.memory_space<vmem>>
      tpu.vector_store_idx %scatter3A_369[%mul3A_5, %add3A_238, %and3A_154], %gather3A_346 : memref<1x200x32xf32, #tpu.memory_space<vmem>>[vector<16xi32>, vector<16xi32>, vector<16xi32>], vector<16xf32>,
      %add3A_370 = arith.addi %mul3A_235, %and3A_184 : vector<16xi32>
      %gather3A_371 = tpu.vector_load_idx %arg5[%add3A_370] : memref<6400xf32, #tpu.memory_space<vmem>>[vector<16xi32>], vector<16xf32>,
      %scatter3A_372 = arith.constant 0 : i32
      %scatter3A_373 = arith.constant 0 : i32
      %scatter3A_374 = tpu.memref_slice %arg7[%rem3A_216, %scatter3A_372, %scatter3A_373] : memref<4x200x32xf32, #tpu.memory_space<vmem>> -> memref<1x200x32xf32, #tpu.memory_space<vmem>>
      tpu.vector_store_idx %scatter3A_374[%mul3A_5, %add3A_238, %and3A_160], %gather3A_351 : memref<1x200x32xf32, #tpu.memory_space<vmem>>[vector<16xi32>, vector<16xi32>, vector<16xi32>], vector<16xf32>,
      %add3A_375 = arith.addi %mul3A_235, %and3A_190 : vector<16xi32>
      %gather3A_376 = tpu.vector_load_idx %arg5[%add3A_375] : memref<6400xf32, #tpu.memory_space<vmem>>[vector<16xi32>], vector<16xf32>,
      %scatter3A_377 = arith.constant 0 : i32
      %scatter3A_378 = arith.constant 0 : i32
      %scatter3A_379 = tpu.memref_slice %arg7[%rem3A_216, %scatter3A_377, %scatter3A_378] : memref<4x200x32xf32, #tpu.memory_space<vmem>> -> memref<1x200x32xf32, #tpu.memory_space<vmem>>
      tpu.vector_store_idx %scatter3A_379[%mul3A_5, %add3A_238, %and3A_166], %gather3A_356 : memref<1x200x32xf32, #tpu.memory_space<vmem>>[vector<16xi32>, vector<16xi32>, vector<16xi32>], vector<16xf32>,
      %add3A_380 = arith.addi %mul3A_235, %and3A_196 : vector<16xi32>
      %gather3A_381 = tpu.vector_load_idx %arg5[%add3A_380] : memref<6400xf32, #tpu.memory_space<vmem>>[vector<16xi32>], vector<16xf32>,
      %scatter3A_382 = arith.constant 0 : i32
      %scatter3A_383 = arith.constant 0 : i32
      %scatter3A_384 = tpu.memref_slice %arg7[%rem3A_216, %scatter3A_382, %scatter3A_383] : memref<4x200x32xf32, #tpu.memory_space<vmem>> -> memref<1x200x32xf32, #tpu.memory_space<vmem>>
      tpu.vector_store_idx %scatter3A_384[%mul3A_5, %add3A_238, %and3A_172], %gather3A_361 : memref<1x200x32xf32, #tpu.memory_space<vmem>>[vector<16xi32>, vector<16xi32>, vector<16xi32>], vector<16xf32>,
      %scatter3A_385 = arith.constant 0 : i32
      %scatter3A_386 = arith.constant 0 : i32
      %scatter3A_387 = tpu.memref_slice %arg7[%rem3A_216, %scatter3A_385, %scatter3A_386] : memref<4x200x32xf32, #tpu.memory_space<vmem>> -> memref<1x200x32xf32, #tpu.memory_space<vmem>>
      tpu.vector_store_idx %scatter3A_387[%mul3A_5, %add3A_238, %and3A_178], %gather3A_366 : memref<1x200x32xf32, #tpu.memory_space<vmem>>[vector<16xi32>, vector<16xi32>, vector<16xi32>], vector<16xf32>,
      %scatter3A_388 = arith.constant 0 : i32
      %scatter3A_389 = arith.constant 0 : i32
      %scatter3A_390 = tpu.memref_slice %arg7[%rem3A_216, %scatter3A_388, %scatter3A_389] : memref<4x200x32xf32, #tpu.memory_space<vmem>> -> memref<1x200x32xf32, #tpu.memory_space<vmem>>
      tpu.vector_store_idx %scatter3A_390[%mul3A_5, %add3A_238, %and3A_184], %gather3A_371 : memref<1x200x32xf32, #tpu.memory_space<vmem>>[vector<16xi32>, vector<16xi32>, vector<16xi32>], vector<16xf32>,
      %scatter3A_391 = arith.constant 0 : i32
      %scatter3A_392 = arith.constant 0 : i32
      %scatter3A_393 = tpu.memref_slice %arg7[%rem3A_216, %scatter3A_391, %scatter3A_392] : memref<4x200x32xf32, #tpu.memory_space<vmem>> -> memref<1x200x32xf32, #tpu.memory_space<vmem>>
      tpu.vector_store_idx %scatter3A_393[%mul3A_5, %add3A_238, %and3A_190], %gather3A_376 : memref<1x200x32xf32, #tpu.memory_space<vmem>>[vector<16xi32>, vector<16xi32>, vector<16xi32>], vector<16xf32>,
      %scatter3A_394 = arith.constant 0 : i32
      %scatter3A_395 = arith.constant 0 : i32
      %scatter3A_396 = tpu.memref_slice %arg7[%rem3A_216, %scatter3A_394, %scatter3A_395] : memref<4x200x32xf32, #tpu.memory_space<vmem>> -> memref<1x200x32xf32, #tpu.memory_space<vmem>>
      tpu.vector_store_idx %scatter3A_396[%mul3A_5, %add3A_238, %and3A_196], %gather3A_381 : memref<1x200x32xf32, #tpu.memory_space<vmem>>[vector<16xi32>, vector<16xi32>, vector<16xi32>], vector<16xf32>,
      %lt3A = arith.constant 508 : i32
      %lt3A_397 = arith.cmpi slt, %add3A_215, %lt3A : i32
      %convert_element_type3A_398 = arith.extui %lt3A_397 : i1 to i32
      %cond3A_399 = arith.constant 0 : i32
      %cond3A_400 = arith.cmpi ne, %convert_element_type3A_398, %cond3A_399 : i32
      scf.if %cond3A_400 {
        %add3A_413 = arith.constant 4 : i32
        %add3A_414 = arith.addi %add3A_215, %add3A_413 : i32
        %add3A_415 = arith.addi %mul3A_2, %add3A_414 : i32
        %dma_start3A_416 = arith.constant 0 : i32
        %dma_start3A_417 = tpu.memref_slice %arg6[%rem3A_216, %dma_start3A_416] : memref<4x200xi32, #tpu.memory_space<vmem>> -> memref<1x200xi32, #tpu.memory_space<vmem>>
        %dma_start3A_418 = arith.constant 0 : i32
        %dma_start3A_419 = tpu.memref_slice %arg2[%add3A_415, %dma_start3A_418] : memref<16384x200xi32, #tpu.memory_space<hbm>> -> memref<1x200xi32, #tpu.memory_space<hbm>>
        %dma_start3A_420 = arith.constant 0 : i32
        %dma_start3A_421 = tpu.memref_slice %arg6[%rem3A_216, %dma_start3A_420] : memref<4x200xi32, #tpu.memory_space<vmem>> -> memref<1x200xi32, #tpu.memory_space<vmem>>
        %dma_start3A_422 = arith.constant 0 : i32
        %dma_start3A_423 = tpu.memref_slice %arg2[%add3A_415, %dma_start3A_422] : memref<16384x200xi32, #tpu.memory_space<hbm>> -> memref<1x200xi32, #tpu.memory_space<hbm>>
        tpu.enqueue_dma source(%dma_start3A_423 : memref<1x200xi32, #tpu.memory_space<hbm>>) target(%dma_start3A_421 : memref<1x200xi32, #tpu.memory_space<vmem>>) target_semaphore(%arg8 : memref<!tpu.dma_semaphore, #tpu.memory_space<semaphore_mem>>)
      } else {
      }
      %add3A_401 = arith.addi %mul3A_2, %add3A_215 : i32
      %dma_start3A = arith.constant 0 : i32
      %dma_start3A_402 = arith.constant 0 : i32
      %dma_start3A_403 = tpu.memref_slice %arg7[%rem3A_216, %dma_start3A, %dma_start3A_402] : memref<4x200x32xf32, #tpu.memory_space<vmem>> -> memref<1x200x32xf32, #tpu.memory_space<vmem>>
      %dma_start3A_404 = arith.constant 0 : i32
      %dma_start3A_405 = arith.constant 0 : i32
      %dma_start3A_406 = tpu.memref_slice %arg4[%add3A_401, %dma_start3A_404, %dma_start3A_405] : memref<16384x200x32xf32, #tpu.memory_space<hbm>> -> memref<1x200x32xf32, #tpu.memory_space<hbm>>
      %dma_start3A_407 = arith.constant 0 : i32
      %dma_start3A_408 = arith.constant 0 : i32
      %dma_start3A_409 = tpu.memref_slice %arg4[%add3A_401, %dma_start3A_407, %dma_start3A_408] : memref<16384x200x32xf32, #tpu.memory_space<hbm>> -> memref<1x200x32xf32, #tpu.memory_space<hbm>>
      %dma_start3A_410 = arith.constant 0 : i32
      %dma_start3A_411 = arith.constant 0 : i32
      %dma_start3A_412 = tpu.memref_slice %arg7[%rem3A_216, %dma_start3A_410, %dma_start3A_411] : memref<4x200x32xf32, #tpu.memory_space<vmem>> -> memref<1x200x32xf32, #tpu.memory_space<vmem>>
      tpu.enqueue_dma source(%dma_start3A_412 : memref<1x200x32xf32, #tpu.memory_space<vmem>>) target(%dma_start3A_409 : memref<1x200x32xf32, #tpu.memory_space<hbm>>) target_semaphore(%arg9 : memref<!tpu.dma_semaphore, #tpu.memory_space<semaphore_mem>>)
    }
    %scan3A_205 = arith.constant 512 : i32
    %scan3A_206 = arith.constant 0 : i32
    %scan3A_207 = arith.constant 4 : i32
    %scan3A_208 = arith.addi %scan3A_206, %scan3A_207 : i32
    %scan3A_209 = arith.constant 1 : i32
    scf.for %scan3A_211 = %scan3A_206 to %scan3A_208 step %scan3A_209  : i32 {
      %mul3A_212 = arith.constant 1 : i32
      %mul3A_213 = arith.muli %scan3A_211, %mul3A_212 : i32
      %add3A_214 = arith.constant 0 : i32
      %add3A_215 = arith.addi %add3A_214, %mul3A_213 : i32
      %dma_wait3A = arith.constant 0 : i32
      %dma_wait3A_216 = arith.constant 0 : i32
      %dma_wait3A_217 = tpu.memref_slice %arg7[%add3A_215, %dma_wait3A, %dma_wait3A_216] : memref<4x200x32xf32, #tpu.memory_space<vmem>> -> memref<1x200x32xf32, #tpu.memory_space<vmem>>
      %dma_wait3A_218 = arith.constant 0 : i32
      %dma_wait3A_219 = arith.constant 0 : i32
      %dma_wait3A_220 = tpu.memref_slice %arg4[%mul3A_2, %dma_wait3A_218, %dma_wait3A_219] : memref<16384x200x32xf32, #tpu.memory_space<hbm>> -> memref<1x200x32xf32, #tpu.memory_space<hbm>>
      %dma_wait3A_221 = arith.constant 0 : i32
      %dma_wait3A_222 = arith.constant 0 : i32
      %dma_wait3A_223 = tpu.memref_slice %arg4[%mul3A_2, %dma_wait3A_221, %dma_wait3A_222] : memref<16384x200x32xf32, #tpu.memory_space<hbm>> -> memref<1x200x32xf32, #tpu.memory_space<hbm>>
      %dma_wait3A_224 = arith.constant 0 : i32
      %dma_wait3A_225 = arith.constant 0 : i32
      %dma_wait3A_226 = tpu.memref_slice %arg7[%add3A_215, %dma_wait3A_224, %dma_wait3A_225] : memref<4x200x32xf32, #tpu.memory_space<vmem>> -> memref<1x200x32xf32, #tpu.memory_space<vmem>>
      tpu.wait_dma2 semaphore(%arg9 : memref<!tpu.dma_semaphore, #tpu.memory_space<semaphore_mem>>) src(%dma_wait3A_226 : memref<1x200x32xf32, #tpu.memory_space<vmem>>) dst(%dma_wait3A_223 : memref<1x200x32xf32, #tpu.memory_space<hbm>>)
    }
    %scan3A_210 = arith.constant 4 : i32
    return
  }
}

</mosaic_0001>

<sc_bundles>
// kernel: kernel.3.cloned.1.call-start
scs
__scs_entry_jumppad:
0x0: {  	(pc) =	sbr.rel $0x88, $3  }
0x1: {  	(tag) =	ssettag $0x0;
	lr =	simm.s32 $0x1  }
0x2: {  	[smem:$0x3F9F] =	sst lr;
	_ =	strace $0xD0000000  }
0x3: {  	_ = 	snop  }
0x4: {  	_ = 	snop  }
0x5: {  	_ = 	snop  }
0x6: {  	_ = 	snop  }
0x7: {  	_ = 	snop  }
__scs_overlays_trampoline_lowered:
0x8: {  	[smem:$0x3FAE] =	sst s0  }
0x9: {  	[smem:$0x3FAF] =	sst s1  }
0xa: {  	[smem:$0x3FB0] =	sst s2  }
0xb: {  	[smem:$0x3FB1] =	sst s3  }
0xc: {  	[smem:$0x3FB2] =	sst s4  }
0xd: {  	[smem:$0x3FB3] =	sst s5  }
0xe: {  	[smem:$0x3FB4] =	sst s6  }
0xf: {  	[smem:$0x3FB5] =	sst s7  }
0x10: {  	[smem:$0x3FB6] =	sst s8  }
0x11: {  	[smem:$0x3FB7] =	sst s9;
	s0 =	simm.s32 @!p0 $0x0  }
0x12: {  	s1 =	sld [smem:$0x3F9D];
	s0 =	simm.s32 @p0 $0x1  }
0x13: {  	[smem:$0x3FB8] =	sst s0;
	s0 =	simm.s32 @!p1 $0x0  }
0x14: {  	s2 =	sld [smem:$0x3F9C];
	s0 =	simm.s32 @p1 $0x1  }
0x15: {  	[smem:$0x3FB9] =	sst s0;
	s0 =	simm.s32 @!p2 $0x0  }
0x16: {  	s3 =	sld [smem:$0x3FDB];
	s0 =	simm.s32 @p2 $0x1  }
0x17: {  	s4 =	simm.s32 $0x1BF5;
	[smem:$0x3FBB] =	sst s0  }
0x18: {  	s0 =	sld [smem:$0x3F9E];
	_ =	swait.ge [sflag:s4], $0x0  }
0x19: {  	s7 =	sld [smem:$0x3F9F]  }
0x1a: {  	s8 =	sadd.s32 $0xFFFFE003, lr  }
0x1b: {  	s9 =	sadd.s32 $0xFFFFFEF7, lr;
	s5 =	simm.s32 $0xFFFFFFFF;
	p2 =	slt.u32 s8, $0xFFFFF086  }
0x1c: {  	p1 =	slt.u32 s9, $0xF7A;
	s5 =	simm.s32 @!p2 $0x0  }
0x1d: {  	s5 =	simm.s32 @p1 $0x1;
	p0 =	seq.s32 s7, s2  }
0x1e: {  	s7 =	smul.u32 @!p0 $0xF7A, s2;
	p2 =	seq.s32 @!p0 s5, $0x0  }
0x1f: {  	s9 =	smul.u32 $0xF7A, s1;
	s8 =	simm.s32 @!p0 $0x1BF5;
	p2 =	por !p2, p0  }
0x20: {  	[sflag:s8] =	ssyncset.s32 @!p0 $0xFFFFF086;
	s6 =	sadd.s32 @!p0 s3, s7;
	s7 =	simm.s32 @!p0 $0x108  }
0x21: {  	s3 =	sadd.s32 s3, s9;
	s6 =	sadd.s32 @!p0 $0x88, s6;
	s7 =	simm.s32 @p2 $0x1082  }
0x22: {  	[simem:s7], [sflag:s8] =	dma.local @!p0 [hbm:s6], $0xF7A  }
0x23: {  	s9 =	sor.u32 $0xD0000000, s2;
	s6 =	simm.s32 $0x108;
	_ =	swait.ge @!p0 [sflag:s8], $0x0  }
0x24: {  	s3 =	sadd.s32 $0x88, s3;
	s6 =	simm.s32 @!p1 $0x1082;
	[sflag:s4] =	ssyncset.s32 $0xFFFFF086  }
0x25: {  	[simem:s6], [sflag:s4] =	dma.local [hbm:s3], $0xF7A  }
0x26: {  	[smem:$0x3F9F] =	sst s1;
	(tag) =	ssettag s2;
	_ =	strace s9  }
0x27: {  	s1 =	sld [smem:$0x3FAF]  }
0x28: {  	s2 =	sld [smem:$0x3FB0]  }
0x29: {  	s4 =	sld [smem:$0x3FB2]  }
0x2a: {  	p0 =	seq.s32 s5, $0x0;
	s5 =	sld [smem:$0x3FB3]  }
0x2b: {  	s6 =	sld [smem:$0x3FB4]  }
0x2c: {  	s7 =	sld [smem:$0x3FB5]  }
0x2d: {  	s3 =	simm.s32 $0x108;
	s8 =	sld [smem:$0x3FB6]  }
0x2e: {  	s3 =	simm.s32 @!p0 $0x1082;
	s9 =	sld [smem:$0x3FB7]  }
0x2f: {  	lr =	sadd.s32 s0, s3;
	s0 =	sld [smem:$0x3FAE]  }
0x30: {  	s3 =	sld [smem:$0x3FB1]  }
0x31: {  	[smem:$0x3FBA] =	sst s10  }
0x32: {  	s10 =	sld [smem:$0x3FB8];
	_ =	sdelay $0x3  }
0x33: {  	p0 =	seq.s32 s10, $0x1;
	s10 =	sld [smem:$0x3FBA];
	_ =	sdelay $0x3  }
0x34: {  	[smem:$0x3FBA] =	sst s10  }
0x35: {  	s10 =	sld [smem:$0x3FB9];
	_ =	sdelay $0x3  }
0x36: {  	p1 =	seq.s32 s10, $0x1;
	s10 =	sld [smem:$0x3FBA];
	_ =	sdelay $0x3  }
0x37: {  	[smem:$0x3FBA] =	sst s10  }
0x38: {  	s10 =	sld [smem:$0x3FBB]  }
0x39: {  	_ = 	snop;
	(pc) =	sbr.ind lr, $3  }
0x3a: {  	_ = 	snop  }
0x3b: {  	_ = 	snop  }
0x3c: {  	p2 =	seq.s32 s10, $0x1;
	s10 =	sld [smem:$0x3FBA]  }
0x3d: {  	_ =	shalt  }
0x3e: {  	_ =	shalt  }
0x3f: {  	_ =	shalt  }
0x40: {  	_ =	shalt  }
0x41: {  	_ =	shalt  }
0x42: {  	_ =	shalt  }
0x43: {  	_ =	shalt  }
0x44: {  	_ =	shalt  }
0x45: {  	_ =	shalt  }
0x46: {  	_ =	shalt  }
0x47: {  	_ =	shalt  }
0x48: {  	_ =	shalt  }
0x49: {  	_ =	shalt  }
0x4a: {  	_ =	shalt  }
0x4b: {  	_ =	shalt  }
0x4c: {  	_ =	shalt  }
0x4d: {  	_ =	shalt  }
0x4e: {  	_ =	shalt  }
0x4f: {  	_ =	shalt  }
0x50: {  	_ =	shalt  }
0x51: {  	_ =	shalt  }
0x52: {  	_ =	shalt  }
0x53: {  	_ =	shalt  }
0x54: {  	_ =	shalt  }
0x55: {  	_ =	shalt  }
0x56: {  	_ =	shalt  }
0x57: {  	_ =	shalt  }
0x58: {  	_ =	shalt  }
0x59: {  	_ =	shalt  }
0x5a: {  	_ =	shalt  }
0x5b: {  	_ =	shalt  }
0x5c: {  	_ =	shalt  }
0x5d: {  	_ =	shalt  }
0x5e: {  	_ =	shalt  }
0x5f: {  	_ =	shalt  }
0x60: {  	_ =	shalt  }
0x61: {  	_ =	shalt  }
0x62: {  	_ =	shalt  }
0x63: {  	_ =	shalt  }
0x64: {  	_ =	shalt  }
0x65: {  	_ =	shalt  }
0x66: {  	_ =	shalt  }
0x67: {  	_ =	shalt  }
0x68: {  	_ =	shalt  }
0x69: {  	_ =	shalt  }
0x6a: {  	_ =	shalt  }
0x6b: {  	_ =	shalt  }
0x6c: {  	_ =	shalt  }
0x6d: {  	_ =	shalt  }
0x6e: {  	_ =	shalt  }
0x6f: {  	_ =	shalt  }
0x70: {  	_ =	shalt  }
0x71: {  	_ =	shalt  }
0x72: {  	_ =	shalt  }
0x73: {  	_ =	shalt  }
0x74: {  	_ =	shalt  }
0x75: {  	_ =	shalt  }
0x76: {  	_ =	shalt  }
0x77: {  	_ =	shalt  }
0x78: {  	_ =	shalt  }
0x79: {  	_ =	shalt  }
0x7a: {  	_ =	shalt  }
0x7b: {  	_ =	shalt  }
0x7c: {  	_ =	shalt  }
0x7d: {  	_ =	shalt  }
0x7e: {  	_ =	shalt  }
0x7f: {  	_ =	shalt  }
0x80: {  	_ =	shalt  }
0x81: {  	_ =	shalt  }
0x82: {  	_ =	shalt  }
0x83: {  	_ =	shalt  }
0x84: {  	_ =	shalt  }
0x85: {  	_ =	shalt  }
0x86: {  	_ =	shalt  }
0x87: {  	_ =	shalt  }
.Lfunc_end0:
.L_simem_size_0:
called_computation_lowered:
.L_overlay_start_0:
0x88: {  	s2 =	sld [smem:$0x3FD9]  }
0x89: {  	s3 =	sld [smem:$0x3FFE];
	_ =	sdelay $0x1  }
0x8a: {  	s1 =	srdreg.scid  }
0x8b: {  	s0 =	sand.u32 $0x1, s1  }
0x8c: {  	s17 =	sshll.u32 s0, $0xA;
	s2 =	sadd.s32 s3, s2  }
0x8d: {  	s2 =	sadd.s32 s2, s17  }
0x8e: {  	[smem:$0x3FC6] =	sst s2  }
0x8f: {  	_ = 	snop  }
0x90: {  	s2 =	sld [smem:$0x3FD0];
	(tm) =	ssettm $0x1  }
0x91: {  	s18 =	sld [smem:$0x3FFB];
	_ =	sdelay $0x3  }
0x92: {  	_ =	strace s18  }
0x93: {  	s3 =	sld [smem:$0x3FFC];
	_ =	sdelay $0x3  }
0x94: {  	_ =	strace s3  }
0x95: {  	s3 =	sld [smem:$0x3FFD];
	_ =	sdelay $0x3  }
0x96: {  	_ =	strace s3  }
0x97: {  	_ =	strace $0x8FFFFFFF  }
0x98: {  	s19 =	sld [smem:$0x3FDB];
	_ =	sdelay $0x1  }
0x99: {  	s4 =	simm.s32 $_scs_section_size  }
0x9a: {  	s5 =	simm.s32 $_size__tile_overlayer_lowered;
	s6 =	simm.s32 $_tile_overlayer_lowered  }
0x9b: {  	s22 =	simm.s32 $0x1BFF;
	s21 =	sshll.u32 s6, $0x1;
	s3 =	sadd.s32 s4, s19  }
0x9c: {  	s7 =	simm.s32 $0x0;
	s20 =	sshll.u32 s5, $0x1;
	s5 =	sadd.s32 s21, s3  }
0x9d: {  	[timem:s7], [sflag:s22] =	dma.local [hbm:s5], s20  }
0x9e: {  	_ =	swait.ge [sflag:s22], s20  }
0x9f: {  	s4 =	ssub.s32 $0x0, s20;
	[sflag:s22] =	ssyncset.done $0x0  }
0xa0: {  	[sflag:s22] =	ssyncadd.s32 s4;
	_ =	sdelay $0x1  }
0xa1: {  	s23 =	simm.s32 $0x1B8B  }
0xa2: {  	_ =	swait.ge [sflag:s23], $0x1  }
0xa3: {  	[sflag:s23] =	ssyncset.done $0x0  }
0xa4: {  	s25 =	simm.s32 $0x1B8E;
	s24 =	sld [smem:$0x3FFE];
	[sflag:s23] =	ssyncadd.s32 $0xFFFFFFFF  }
0xa5: {  	s26 =	simm.s32 $execute0_lowered;
	[smem:$0x3FD2] =	sst s25  }
0xa6: {  	s5 =	sshll.u32 s26, $0x1;
	_ =	strace $0x80000046;
	[dreg:$0x1] =	wrdreg $0xFFFFFFFF  }
0xa7: {  	s28 =	simm.s32 $_size_execute0_lowered;
	s3 =	sadd.s32 s3, s5;
	[dreg:$0x0] =	wrdreg $0x0  }
0xa8: {  	s5 =	sshll.u32 s28, $0x1;
	[dreg:$0x2] =	wrdreg s3  }
0xa9: {  	[dreg:$0x3] =	wrdreg s5  }
0xaa: {  	[dreg:$0x4] =	wrdreg $0xC0  }
0xab: {  	_ =	task [dreg:s7], $0x5FFFF  }
0xac: {  	[dreg:$0x1] =	wrdreg $0xFFFFFFFF  }
0xad: {  	[dreg:$0x0] =	wrdreg $0x60  }
0xae: {  	[dreg:$0x2] =	wrdreg s2  }
0xaf: {  	[dreg:$0x3] =	wrdreg s24  }
0xb0: {  	[dreg:$0x4] =	wrdreg $0x9  }
0xb1: {  	_ =	task.clear_ibuf [dreg:s7], $0x5FFFF;
	_ =	strace $0x90000046  }
0xb2: {  	s29 =	simm.s32 $0x9;
	_ =	strace $0x80000048  }
0xb3: {  	_ =	swait.ge [sflag:s29], $0x1  }
0xb4: {  	[sflag:s29] =	ssyncadd.s32 $0xFFFFFFFF  }
0xb5: {  	_ =	strace $0x90000048  }
0xb6: {  	_ =	sfence  }
0xb7: {  	s30 =	sld [smem:$0x0];
	_ =	sdelay $0x2  }
0xb8: {  	s31 =	sshll.u32 s1, $0xD;
	s1 =	sshrl.u32 s1, $0x2  }
0xb9: {  	s3 =	sand.u32 $0x4000, s31;
	s1 =	sadd.s32 s1, s30  }
0xba: {  	s0 =	sor.u32 s3, s0;
	s1 =	sshll.u32 s1, $0x11  }
0xbb: {  	s0 =	sor.u32 s1, s0  }
0xbc: {  	s0 =	sadd.s32 $0x8F2B, s0  }
0xbd: {  	[sflag:s0] =	ssyncadd.remote.s32 $0x1  }
0xbe: {  	_ =	sfence.sel $0xFFFF  }
0xbf: {  	[dreg:$0x0] =	wrdreg $0xFFFFFFFF;
	(pc) =	sbr.abs _section_cstart, $3  }
0xc0: {  	[dreg:$0x1] =	wrdreg $0xFFFFFFFF  }
0xc1: {  	_ =	task.clear_ibuf [dreg:s7], $0x2FFFF;
	_ =	strace $0x9FFFFFFF  }
0xc2: {  	(tm) =	ssettm $0x7FFFFFFF  }
0xc3: {  	_ =	shalt  }
tec
execute0_lowered:
.L_overlay_start_1:
0x0: {  	(tag) =	ssettag $0x1  }
0x1: {  	v0 =	vlaneseq.u32  }
0x2: {  	v17 =	vimm.s32 $0x14131211;
	v18 =	vimm.s32 $0x18171615;
	vm0 =	vcmask $0x1F10  }
0x3: {  	v19 =	vimm.s32 $0x1F1E1D;
	v20 =	vimm.s32 $0x15141312;
	v21 =	vimm.s32 $0x1001F1E  }
0x4: {  	v28 =	vimm.s32 $0x201001F;
	v34 =	vimm.s32 $0x1F1E1D1C;
	v35 =	vimm.s32 $0x17161514  }
0x5: {  	v36 =	vimm.s32 $0x1B1A1918;
	v37 =	vimm.s32 $0x4030201;
	v38 =	vimm.s32 $0x5040302  }
0x6: {  	v39 =	vimm.s32 $0x6050403;
	v57 =	vimm.s32 $0x76543210;
	v58 =	vimm.s32 $0x87654321  }
0x7: {  	v59 =	vimm.s32 $0x98765432;
	v60 =	vimm.s32 $0xA9876543;
	v61 =	vimm.s32 $0x32107654  }
0x8: {  	vm14 =	vcmask $0x2F10;
	v42 =	vimm.s32 $0x43218765;
	v43 =	vimm.s32 $0xB0A0908  }
0x9: {  	vm1 =	vcmask $0x3F30;
	v44 =	vimm.s32 $0x54329876;
	v45 =	vimm.s32 $0x6543A987  }
0xa: {  	v48 =	vimm.s32 $0xC0B0A09;
	v50 =	vimm.s32 $0xD0C0B0A;
	v51 =	vimm.s32 $0xE0D0C0B  }
0xb: {  	vm13 =	vcmask $0x704;
	vm12 =	vcmask $0xB08;
	vm11 =	vcmask $0xF0C  }
0xc: {  	vm10 =	vcmask $0x1310;
	vm9 =	vcmask $0x1714;
	vm7 =	vcmask $0x1B18  }
0xd: {  	vm15 =	vcmask $0x2320;
	vm2 =	vcmask $0x2724;
	vm3 =	vcmask $0x2B28  }
0xe: {  	vm4 =	vcmask $0x2F2C;
	vm5 =	vcmask $0x3330;
	vm6 =	vcmask $0x3734  }
0xf: {  	vm8 =	vcmask $0x3B38;
	v1 =	vadd.s32 $0x1, v0;
	v2 =	vadd.s32 $0x2, v0  }
0x10: {  	v3 =	vadd.s32 $0x3, v0;
	v4 =	vadd.s32 $0x4, v0;
	v5 =	vmul.u32 $0x80, v0  }
0x11: {  	v6 =	vadd.s32 $0x5, v0;
	v7 =	vadd.s32 $0x6, v0;
	v8 =	vadd.s32 $0x7, v0  }
0x12: {  	v9 =	vadd.s32 $0x8, v0;
	v10 =	vadd.s32 $0x9, v0;
	v11 =	vadd.s32 $0xA, v0  }
0x13: {  	v12 =	vadd.s32 $0xB, v0;
	v13 =	vadd.s32 $0xC, v0;
	v14 =	vadd.s32 $0xD, v0  }
0x14: {  	v15 =	vadd.s32 $0xE, v0;
	v16 =	vadd.s32 $0xF, v0;
	v17 =	vunpack.c.0.s8.s32 v17  }
0x15: {  	v22 =	vunpack.c.0.s8.s32 v18;
	v18 =	vimm.s32 $0x1C1B1A19;
	v30 =	vunpack.c.0.s8.s32 v19  }
0x16: {  	v19 =	vimm.s32 $0x19181716;
	v31 =	vunpack.c.0.s8.s32 v21;
	v33 =	vunpack.c.0.s8.s32 v28  }
0x17: {  	v34 =	vunpack.c.0.s8.s32 v34;
	v35 =	vunpack.c.0.s8.s32 v35;
	v36 =	vunpack.c.0.s8.s32 v36  }
0x18: {  	v37 =	vunpack.c.0.s8.s32 v37;
	v38 =	vunpack.c.0.s8.s32 v38;
	v56 =	vunpack.c.0.s8.s32 v39  }
0x19: {  	v46 =	vunpack.c.l.s4.s8 v45;
	v39 =	vimm.s32 $0x6384;
	v45 =	vimm.s32 $0x638D  }
0x1a: {  	v23 =	vunpack.c.0.s8.s32 v18;
	v18 =	vunpack.c.0.s8.s32 v20;
	v20 =	vimm.s32 $0x1D1C1B1A  }
0x1b: {  	v24 =	vunpack.c.0.s8.s32 v19;
	v25 =	vunpack.c.0.s8.s32 v20;
	v19 =	vsel vm0, v22, v17  }
0x1c: {  	v17 =	vimm.s32 $0x16151413;
	v35 =	vsel vm0, v36, v35;
	v55 =	vsel vm0, v37, v30  }
0x1d: {  	v37 =	vunpack.c.l.s4.s8 v60;
	v26 =	vsel vm0, v30, v23;
	v20 =	vsel vm0, v24, v18  }
0x1e: {  	v21 =	vunpack.c.0.s8.s32 v17;
	v17 =	vimm.s32 $0x1A191817;
	v18 =	vimm.s32 $0x1E1D1C1B  }
0x1f: {  	v22 =	vsel vm0, v23, v22;
	v23 =	vsel vm0, v38, v31;
	v38 =	vunpack.c.l.s4.s8 v61  }
0x20: {  	v27 =	vsel vm0, v31, v25;
	v29 =	vunpack.c.0.s8.s32 v17;
	v32 =	vunpack.c.0.s8.s32 v18  }
0x21: {  	v18 =	vcombine.low v19, v26;
	v24 =	vsel vm0, v25, v24;
	v22 =	vcombine.low v22, v55  }
0x22: {  	v17 =	vor.u32 $0x10, v0;
	v19 =	vcombine.low v20, v27;
	v23 =	vcombine.low v24, v23  }
0x23: {  	v24 =	vsel vm0, v56, v33;
	v40 =	vunpack.c.0.s8.s32 v38;
	v38 =	vimm.s32 $0x6383  }
0x24: {  	v20 =	vsel vm0, v29, v21;
	v28 =	vsel vm0, v33, v32;
	v21 =	vimm.s32 $0x3020100  }
0x25: {  	v25 =	vsel vm0, v32, v29;
	v29 =	vsel vm0, v34, v36;
	v32 =	vunpack.c.l.s4.s8 v57  }
0x26: {  	v36 =	vunpack.c.l.s4.s8 v59;
	v59 =	vimm.s32 $0x6380;
	v21 =	vunpack.c.0.s8.s32 v21  }
0x27: {  	v20 =	vcombine.low v20, v28;
	v24 =	vcombine.low v25, v24;
	v41 =	vand.u32 $0xF, v40  }
0x28: {  	v40 =	vimm.s32 $0x6386;
	v32 =	vunpack.c.0.s8.s32 v32;
	v21 =	vsel vm0, v21, v34  }
0x29: {  	v36 =	vunpack.c.0.s8.s32 v36;
	v21 =	vcombine.low v35, v21;
	v35 =	vunpack.c.l.s4.s8 v58  }
0x2a: {  	vm0 =	vcmask $0x1F1C;
	v25 =	vcombine.low v29, v32;
	v29 =	vunpack.c.0.s8.s32 v37  }
0x2b: {  	v63 =	vand.u32 $0xF, v36;
	v32 =	vsel vm14, v41, v34;
	v35 =	vunpack.c.0.s8.s32 v35  }
0x2c: {  	v34 =	vunpack.c.0.s8.s32 v43;
	v36 =	vunpack.c.l.s4.s8 v44;
	v37 =	vunpack.c.0.s8.s32 v51  }
0x2d: {  	v41 =	vimm.s32 $0x6387;
	v62 =	vand.u32 $0xF, v35;
	v35 =	vunpack.c.l.s4.s8 v42  }
0x2e: {  	v43 =	vimm.s32 $0x638A;
	v44 =	vimm.s32 $0x638C;
	v36 =	vunpack.c.0.s8.s32 v36  }
0x2f: {  	v27 =	vcombine.low v27, v63;
	v29 =	vand.u32 $0xF, v29;
	v35 =	vunpack.c.0.s8.s32 v35  }
0x30: {  	v28 =	vcombine.low v28, v29;
	v29 =	vsel vm1, v34, v32;
	v49 =	vand.u32 $0xF, v36  }
0x31: {  	v36 =	vunpack.c.0.s8.s32 v50;
	v50 =	vimm.s32 $0x6382;
	v47 =	vand.u32 $0xF, v35  }
0x32: {  	v42 =	vimm.s32 $0x6389;
	v34 =	vsel vm14, v47, v30;
	v30 =	vunpack.c.0.s8.s32 v46  }
0x33: {  	v26 =	vcombine.low v26, v62;
	v32 =	vsel vm14, v49, v31;
	v35 =	vunpack.c.0.s8.s32 v48  }
0x34: {  	v49 =	vimm.s32 $0x6381;
	v32 =	vsel vm1, v36, v32;
	v30 =	vand.u32 $0xF, v30  }
0x35: {  	v31 =	vsel vm1, v35, v34;
	v33 =	vsel vm14, v30, v33;
	vm14 =	vcmask $0x300  }
0x36: {  	v30 =	vmul.u32 $0x81, v0;
	v33 =	vsel vm1, v37, v33;
	v34 =	vsel vm14, $0x5C11, v59  }
0x37: {  	v49 =	vsel vm14, $0x5C12, v49;
	v50 =	vsel vm14, $0x5C13, v50;
	v59 =	vimm.s32 $0x638B  }
0x38: {  	v52 =	vadd.s32 $0x5C00, v30;
	v53 =	vadd.s32 $0x5C01, v30;
	v54 =	vadd.s32 $0x5C02, v30  }
0x39: {  	v55 =	vadd.s32 $0x5C03, v30;
	v56 =	vadd.s32 $0x5C04, v30;
	v57 =	vadd.s32 $0x5C05, v30  }
0x3a: {  	v58 =	vadd.s32 $0x5C06, v30;
	v60 =	vadd.s32 $0x5C07, v30;
	v61 =	vadd.s32 $0x5C08, v30  }
0x3b: {  	v34 =	vsel vm13, $0x5C92, v34;
	v62 =	vadd.s32 $0x5C09, v30;
	v63 =	vadd.s32 $0x5C0A, v30  }
0x3c: {  	v36 =	vadd.s32 $0x5C0B, v30;
	v37 =	vadd.s32 $0x5C0C, v30;
	v47 =	vadd.s32 $0x5C0D, v30  }
0x3d: {  	v48 =	vadd.s32 $0x5C0E, v30;
	v49 =	vsel vm13, $0x5C93, v49;
	v50 =	vsel vm13, $0x5C94, v50  }
0x3e: {  	v59 =	vsel vm14, $0x5C1C, v59;
	[tilespmem:$0x1FF40] =	vst v53;
	v34 =	vsel vm12, $0x5D13, v34;
	v49 =	vsel vm12, $0x5D14, v49  }
0x3f: {  	[tilespmem:$0x1FF70] =	vst v56;
	v50 =	vsel vm12, $0x5D15, v50;
	v53 =	vimm.s32 $0x6385;
	v56 =	vimm.s32 $0x6388  }
0x40: {  	v59 =	vsel vm13, $0x5C9D, v59;
	v34 =	vsel vm11, $0x5D94, v34;
	v49 =	vsel vm11, $0x5D95, v49  }
0x41: {  	v50 =	vsel vm11, $0x5D96, v50;
	v34 =	vsel vm10, $0x5E15, v34;
	v49 =	vsel vm10, $0x5E16, v49  }
0x42: {  	v50 =	vsel vm10, $0x5E17, v50;
	v34 =	vsel vm9, $0x5E96, v34;
	v49 =	vsel vm9, $0x5E97, v49  }
0x43: {  	v50 =	vsel vm9, $0x5E98, v50;
	v34 =	vsel vm7, $0x5F17, v34;
	v49 =	vsel vm7, $0x5F18, v49  }
0x44: {  	v50 =	vsel vm7, $0x5F19, v50;
	v34 =	vsel vm0, $0x5F98, v34;
	v49 =	vsel vm0, $0x5F99, v49  }
0x45: {  	v50 =	vsel vm0, $0x5F9A, v50;
	v34 =	vsel vm15, $0x6019, v34;
	v49 =	vsel vm15, $0x601A, v49  }
0x46: {  	v50 =	vsel vm15, $0x601B, v50;
	v34 =	vsel vm2, $0x609A, v34;
	v49 =	vsel vm2, $0x609B, v49  }
0x47: {  	v50 =	vsel vm2, $0x609C, v50;
	v34 =	vsel vm3, $0x611B, v34;
	v49 =	vsel vm3, $0x611C, v49  }
0x48: {  	v50 =	vsel vm3, $0x611D, v50;
	v34 =	vsel vm4, $0x619C, v34;
	v49 =	vsel vm4, $0x619D, v49  }
0x49: {  	v50 =	vsel vm4, $0x619E, v50;
	v34 =	vsel vm5, $0x621D, v34;
	v49 =	vsel vm5, $0x621E, v49  }
0x4a: {  	v50 =	vsel vm5, $0x621F, v50;
	v34 =	vsel vm6, $0x629E, v34;
	v51 =	vsel vm6, $0x629F, v49  }
0x4b: {  	[tilespmem:$0x1FF30] =	vst v52;
	v52 =	vsel vm6, $0x6280, v50;
	v49 =	vsel vm8, $0x631F, v34;
	v50 =	vsel vm8, $0x6300, v51  }
0x4c: {  	v51 =	vsel vm8, $0x6301, v52;
	v34 =	vsel vm14, $0x5C14, v38;
	v52 =	vsel vm14, $0x5C15, v39  }
0x4d: {  	v53 =	vsel vm14, $0x5C16, v53;
	v34 =	vsel vm13, $0x5C95, v34;
	v52 =	vsel vm13, $0x5C96, v52  }
0x4e: {  	v53 =	vsel vm13, $0x5C97, v53;
	v34 =	vsel vm12, $0x5D16, v34;
	v52 =	vsel vm12, $0x5D17, v52  }
0x4f: {  	v53 =	vsel vm12, $0x5D18, v53;
	v34 =	vsel vm11, $0x5D97, v34;
	v52 =	vsel vm11, $0x5D98, v52  }
0x50: {  	v53 =	vsel vm11, $0x5D99, v53;
	v34 =	vsel vm10, $0x5E18, v34;
	v52 =	vsel vm10, $0x5E19, v52  }
0x51: {  	v53 =	vsel vm10, $0x5E1A, v53;
	v34 =	vsel vm9, $0x5E99, v34;
	v52 =	vsel vm9, $0x5E9A, v52  }
0x52: {  	v53 =	vsel vm9, $0x5E9B, v53;
	v34 =	vsel vm7, $0x5F1A, v34;
	v52 =	vsel vm7, $0x5F1B, v52  }
0x53: {  	v53 =	vsel vm7, $0x5F1C, v53;
	v34 =	vsel vm0, $0x5F9B, v34;
	v52 =	vsel vm0, $0x5F9C, v52  }
0x54: {  	v53 =	vsel vm0, $0x5F9D, v53;
	v34 =	vsel vm15, $0x601C, v34;
	v52 =	vsel vm15, $0x601D, v52  }
0x55: {  	v53 =	vsel vm15, $0x601E, v53;
	v34 =	vsel vm2, $0x609D, v34;
	v52 =	vsel vm2, $0x609E, v52  }
0x56: {  	v53 =	vsel vm2, $0x609F, v53;
	v34 =	vsel vm3, $0x611E, v34;
	v52 =	vsel vm3, $0x611F, v52  }
0x57: {  	v53 =	vsel vm3, $0x6100, v53;
	v34 =	vsel vm4, $0x619F, v34;
	v52 =	vsel vm4, $0x6180, v52  }
0x58: {  	v53 =	vsel vm4, $0x6181, v53;
	v34 =	vsel vm5, $0x6200, v34;
	v52 =	vsel vm5, $0x6201, v52  }
0x59: {  	[tilespmem:$0x1FF50] =	vst v54;
	v53 =	vsel vm5, $0x6202, v53;
	v34 =	vsel vm6, $0x6281, v34;
	v54 =	vsel vm6, $0x6282, v52  }
0x5a: {  	[tilespmem:$0x1FF60] =	vst v55;
	v55 =	vsel vm6, $0x6283, v53;
	v52 =	vsel vm8, $0x6302, v34;
	v53 =	vsel vm8, $0x6303, v54  }
0x5b: {  	v54 =	vsel vm8, $0x6304, v55;
	v34 =	vsel vm14, $0x5C17, v40;
	v55 =	vsel vm14, $0x5C18, v41  }
0x5c: {  	v56 =	vsel vm14, $0x5C19, v56;
	v34 =	vsel vm13, $0x5C98, v34;
	v55 =	vsel vm13, $0x5C99, v55  }
0x5d: {  	v56 =	vsel vm13, $0x5C9A, v56;
	v34 =	vsel vm12, $0x5D19, v34;
	v55 =	vsel vm12, $0x5D1A, v55  }
0x5e: {  	v56 =	vsel vm12, $0x5D1B, v56;
	v34 =	vsel vm11, $0x5D9A, v34;
	v55 =	vsel vm11, $0x5D9B, v55  }
0x5f: {  	v56 =	vsel vm11, $0x5D9C, v56;
	v34 =	vsel vm10, $0x5E1B, v34;
	v55 =	vsel vm10, $0x5E1C, v55  }
0x60: {  	v56 =	vsel vm10, $0x5E1D, v56;
	v34 =	vsel vm9, $0x5E9C, v34;
	v55 =	vsel vm9, $0x5E9D, v55  }
0x61: {  	v56 =	vsel vm9, $0x5E9E, v56;
	v34 =	vsel vm7, $0x5F1D, v34;
	v55 =	vsel vm7, $0x5F1E, v55  }
0x62: {  	v56 =	vsel vm7, $0x5F1F, v56;
	v34 =	vsel vm0, $0x5F9E, v34;
	v55 =	vsel vm0, $0x5F9F, v55  }
0x63: {  	v56 =	vsel vm0, $0x5F80, v56;
	v34 =	vsel vm15, $0x601F, v34;
	v55 =	vsel vm15, $0x6000, v55  }
0x64: {  	v56 =	vsel vm15, $0x6001, v56;
	v34 =	vsel vm2, $0x6080, v34;
	v55 =	vsel vm2, $0x6081, v55  }
0x65: {  	v56 =	vsel vm2, $0x6082, v56;
	v34 =	vsel vm3, $0x6101, v34;
	v55 =	vsel vm3, $0x6102, v55  }
0x66: {  	v56 =	vsel vm3, $0x6103, v56;
	v34 =	vsel vm4, $0x6182, v34;
	v55 =	vsel vm4, $0x6183, v55  }
0x67: {  	v56 =	vsel vm4, $0x6184, v56;
	v34 =	vsel vm5, $0x6203, v34;
	v55 =	vsel vm5, $0x6204, v55  }
0x68: {  	[tilespmem:$0x1FF80] =	vst v57;
	v56 =	vsel vm5, $0x6205, v56;
	v34 =	vsel vm6, $0x6284, v34;
	v57 =	vsel vm6, $0x6285, v55  }
0x69: {  	[tilespmem:$0x1FF90] =	vst v58;
	v58 =	vsel vm6, $0x6286, v56;
	v55 =	vsel vm8, $0x6305, v34;
	v56 =	vsel vm8, $0x6306, v57  }
0x6a: {  	v57 =	vsel vm8, $0x6307, v58;
	v34 =	vsel vm14, $0x5C1A, v42;
	v58 =	vsel vm14, $0x5C1B, v43  }
0x6b: {  	[tilespmem:$0x1FFC0] =	vst v62;
	v62 =	vimm.s32 $0x638E;
	v34 =	vsel vm13, $0x5C9B, v34;
	v58 =	vsel vm13, $0x5C9C, v58  }
0x6c: {  	v59 =	vsel vm12, $0x5D1E, v59;
	v34 =	vsel vm12, $0x5D1C, v34;
	v58 =	vsel vm12, $0x5D1D, v58  }
0x6d: {  	v62 =	vsel vm14, $0x5C1F, v62;
	v34 =	vsel vm11, $0x5D9D, v34;
	v58 =	vsel vm11, $0x5D9E, v58  }
0x6e: {  	v59 =	vsel vm11, $0x5D9F, v59;
	v34 =	vsel vm10, $0x5E1E, v34;
	v58 =	vsel vm10, $0x5E1F, v58  }
0x6f: {  	v59 =	vsel vm10, $0x5E00, v59;
	v34 =	vsel vm9, $0x5E9F, v34;
	v58 =	vsel vm9, $0x5E80, v58  }
0x70: {  	v59 =	vsel vm9, $0x5E81, v59;
	v34 =	vsel vm7, $0x5F00, v34;
	v58 =	vsel vm7, $0x5F01, v58  }
0x71: {  	v59 =	vsel vm7, $0x5F02, v59;
	v34 =	vsel vm0, $0x5F81, v34;
	v58 =	vsel vm0, $0x5F82, v58  }
0x72: {  	v59 =	vsel vm0, $0x5F83, v59;
	v34 =	vsel vm15, $0x6002, v34;
	v58 =	vsel vm15, $0x6003, v58  }
0x73: {  	v59 =	vsel vm15, $0x6004, v59;
	v34 =	vsel vm2, $0x6083, v34;
	v58 =	vsel vm2, $0x6084, v58  }
0x74: {  	v59 =	vsel vm2, $0x6085, v59;
	v34 =	vsel vm3, $0x6104, v34;
	v58 =	vsel vm3, $0x6105, v58  }
0x75: {  	v59 =	vsel vm3, $0x6106, v59;
	v34 =	vsel vm4, $0x6185, v34;
	v58 =	vsel vm4, $0x6186, v58  }
0x76: {  	v59 =	vsel vm4, $0x6187, v59;
	v34 =	vsel vm5, $0x6206, v34;
	v58 =	vsel vm5, $0x6207, v58  }
0x77: {  	[tilespmem:$0x1FFA0] =	vst v60;
	v59 =	vsel vm5, $0x6208, v59;
	v34 =	vsel vm6, $0x6287, v34;
	v60 =	vsel vm6, $0x6288, v58  }
0x78: {  	[tilespmem:$0x1FFB0] =	vst v61;
	v61 =	vsel vm6, $0x6289, v59;
	v58 =	vsel vm8, $0x6308, v34;
	v59 =	vsel vm8, $0x6309, v60  }
0x79: {  	v60 =	vsel vm8, $0x630A, v61;
	v34 =	vsel vm14, $0x5C1D, v44;
	v61 =	vsel vm14, $0x5C1E, v45  }
0x7a: {  	v62 =	vsel vm13, $0x5C80, v62;
	v34 =	vsel vm13, $0x5C9E, v34;
	v61 =	vsel vm13, $0x5C9F, v61  }
0x7b: {  	s0 =	rddreg [dreg:$0x0];
	v62 =	vsel vm12, $0x5D01, v62;
	v34 =	vsel vm12, $0x5D1F, v34;
	v61 =	vsel vm12, $0x5D00, v61  }
0x7c: {  	s1 =	rddreg [dreg:$0x1];
	s2 =	srdreg.scid;
	v62 =	vsel vm11, $0x5D82, v62;
	v34 =	vsel vm11, $0x5D80, v34;
	v61 =	vsel vm11, $0x5D81, v61  }
0x7d: {  	s4 =	stileid.u32;
	s3 =	simm.s32 $0x0;
	s12 =	simm.s32 $0x3;
	v62 =	vsel vm10, $0x5E03, v62;
	v34 =	vsel vm10, $0x5E01, v34;
	v61 =	vsel vm10, $0x5E02, v61  }
0x7e: {  	s16 =	simm.s32 $0x1980;
	s18 =	simm.s32 $0x1B80;
	s19 =	simm.s32 $0x1A00;
	v62 =	vsel vm9, $0x5E84, v62;
	v34 =	vsel vm9, $0x5E82, v34;
	v61 =	vsel vm9, $0x5E83, v61  }
0x7f: {  	s21 =	simm.s32 $0x1C00;
	s22 =	simm.s32 $0x1A80;
	s24 =	simm.s32 $0x1C80;
	v62 =	vsel vm7, $0x5F05, v62;
	v34 =	vsel vm7, $0x5F03, v34;
	v61 =	vsel vm7, $0x5F04, v61  }
0x80: {  	s25 =	simm.s32 $0x1;
	s26 =	simm.s32 $0x2;
	s2 =	sand.u32 $0x1, s2;
	v62 =	vsel vm0, $0x5F86, v62;
	v34 =	vsel vm0, $0x5F84, v34;
	v61 =	vsel vm0, $0x5F85, v61  }
0x81: {  	s28 =	simm.s32 $0x0;
	s4 =	sshll.u32 s4, $0xA;
	s5 =	sshll.u32 s2, $0x9;
	v62 =	vsel vm15, $0x6007, v62;
	v34 =	vsel vm15, $0x6005, v34;
	v61 =	vsel vm15, $0x6006, v61  }
0x82: {  	[smem:$0x7FF] =	sst s3;
	s2 =	ssub.s32 $0x2, s2;
	s4 =	sor.u32 s5, s4;
	v62 =	vsel vm2, $0x6088, v62;
	v34 =	vsel vm2, $0x6086, v34;
	v61 =	vsel vm2, $0x6087, v61  }
0x83: {  	s6 =	sshrl.u32 s2, $0x1;
	s5 =	sadd.s32 $0x400, s1;
	s7 =	sshll.u32 s4, $0x5;
	v62 =	vsel vm3, $0x6109, v62;
	v34 =	vsel vm3, $0x6107, v34;
	v61 =	vsel vm3, $0x6108, v61  }
0x84: {  	s2 =	ssub.s32 s2, s6;
	s6 =	sadd.s32 s0, s7;
	s7 =	sadd.s32 $0x800, s1;
	[tilespmem:$0x1FFD0] =	vst v63;
	v62 =	vsel vm4, $0x618A, v62;
	v34 =	vsel vm4, $0x6188, v34;
	v61 =	vsel vm4, $0x6189, v61  }
0x85: {  	s8 =	smax.u32 s2, $0x1;
	s9 =	sadd.s32 $0x10, s6;
	s10 =	sadd.s32 $0x20, s6;
	[tilespmem:$0x1FFE0] =	vst v36;
	v62 =	vsel vm5, $0x620B, v62;
	v34 =	vsel vm5, $0x6209, v34;
	v61 =	vsel vm5, $0x620A, v61  }
0x86: {  	s11 =	sadd.s32 $0x30, s6;
	s14 =	sadd.s32 $0x80, s6;
	s17 =	sadd.s32 $0x80, s9;
	[tilespmem:$0x1FFF0] =	vst v37;
	v46 =	vsel vm6, $0x628C, v62;
	v34 =	vsel vm6, $0x628A, v34;
	v63 =	vsel vm6, $0x628B, v61  }
0x87: {  	s20 =	sadd.s32 $0x80, s10;
	s23 =	sadd.s32 $0x80, s11;
	_ =	strace $0x80000047;
	v61 =	vsel vm8, $0x630B, v34;
	v62 =	vsel vm8, $0x630C, v63;
	v63 =	vsel vm8, $0x630D, v46  }
.LBB2_1:
0x88: {  	[tilespmem:s3], [sflag:$0x3] =	stream.linear.gather [hbm4b:s5+s3], $0x1900, $0x38;
	[tilespmem:$0x1AD00] =	vst v63  }
0x89: {  	_ =	swait.ge [sflag:s12], $0x1900  }
0x8a: {  	[sflag:s12] =	ssyncset.done $0x0  }
0x8b: {  	s1 =	simm.s32 $0x1900;
	[sflag:s12] =	ssyncadd.s32 $0xFFFFE700  }
0x8c: {  	[tilespmem:s1], [sflag:$0x1] =	stream.linear.gather [hbm4b:s6+s3], $0x80, $0x38;
	[tilespmem:$0x1AD00] =	vst v63  }
0x8d: {  	s31 =	simm.s32 $0x1B00  }
0x8e: {  	[tilespmem:s31], [sflag:$0x1] =	stream.linear.gather [hbm4b:s14+s3], $0x80, $0x38;
	[tilespmem:$0x1AD00] =	vst v63  }
0x8f: {  	_ = 	snop  }
0x90: {  	[tilespmem:s16], [sflag:$0x1] =	stream.linear.gather [hbm4b:s9+s3], $0x80, $0x38;
	[tilespmem:$0x1AD00] =	vst v63  }
0x91: {  	_ = 	snop  }
0x92: {  	[tilespmem:s18], [sflag:$0x1] =	stream.linear.gather [hbm4b:s17+s3], $0x80, $0x38;
	[tilespmem:$0x1AD00] =	vst v63  }
0x93: {  	_ = 	snop  }
0x94: {  	[tilespmem:s19], [sflag:$0x1] =	stream.linear.gather [hbm4b:s10+s3], $0x80, $0x38;
	[tilespmem:$0x1AD00] =	vst v63  }
0x95: {  	_ = 	snop  }
0x96: {  	[tilespmem:s21], [sflag:$0x1] =	stream.linear.gather [hbm4b:s20+s3], $0x80, $0x38;
	[tilespmem:$0x1AD00] =	vst v63  }
0x97: {  	_ = 	snop  }
0x98: {  	[tilespmem:s22], [sflag:$0x1] =	stream.linear.gather [hbm4b:s11+s3], $0x80, $0x38;
	[tilespmem:$0x1AD00] =	vst v63  }
0x99: {  	s29 =	simm.s32 $0x0  }
0x9a: {  	[tilespmem:s24], [sflag:$0x1] =	stream.linear.gather [hbm4b:s23+s3], $0x80, $0x38;
	[tilespmem:$0x1AD00] =	vst v63  }
.LBB2_2:
0x9b: {  	_ =	swait.ge [sflag:s25], $0x100;
	p0 =	slt.u32 s29, $0x4;
	s1 =	sand.u32 $0x3, s29  }
0x9c: {  	s30 =	sshll.u32 s29, $0x7;
	[sflag:s25] =	ssyncset.done $0x0;
	s1 =	smul.u32 $0x19000, s1  }
0x9d: {  	s2 =	simm.s32 @!p0 $0x2;
	s31 =	sand.u32 $0x180, s30;
	[sflag:s25] =	ssyncadd.s32 $0xFFFFFF00  }
0x9e: {  	v34 =	vmov s31;
	_ =	swait.ge @!p0 [sflag:s2], $0x6400;
	s1 =	sshrl.u32 s1, $0x2  }
0x9f: {  	[sflag:s2] =	ssyncset.done @!p0 $0x0;
	s30 =	sadd.s32 $0x1D00, s1  }
0xa0: {  	s1 =	simm.s32 $0x0;
	[sflag:s2] =	ssyncadd.s32 @!p0 $0xFFFF9C00;
	s2 =	simm.s32 $0x0  }
.LBB2_3:
0xa1: {  	s13 =	sand.u32 $0x70, s2;
	s15 =	sand.u32 $0x200, s1  }
0xa2: {  	s13 =	sor.u32 s13, s15  }
0xa3: {  	v35 =	vld.idx.msk [tilespmem:v34+s13+$0x1900 ss:$0x1], $0xffff;
	_ =	sdelay $0x4  }
0xa4: {  	v35 =	vshll.u32 v35, $0x5  }
0xa5: {  	v36 =	vor.u32 v0, v35  }
0xa6: {  	v37 =	vor.u32 v1, v35  }
0xa7: {  	v38 =	vmov s2  }
0xa8: {  	v38 =	vshll.u32 v38, $0x7;
	v39 =	vor.u32 v2, v35  }
0xa9: {  	v38 =	vor.u32 v5, v38;
	v40 =	vor.u32 v3, v35  }
0xaa: {  	v42 =	vor.u32 v0, v38;
	v41 =	vor.u32 v4, v35;
	v36 =	vld.idx.msk [tilespmem:v36+s3+$0x0], $0xffff  }
0xab: {  	v44 =	vor.u32 v1, v38;
	v43 =	vor.u32 v6, v35;
	v37 =	vld.idx.msk [tilespmem:v37+s3+$0x0], $0xffff  }
0xac: {  	v45 =	vor.u32 v7, v35  }
0xad: {  	v39 =	vld.idx.msk [tilespmem:v39+s3+$0x0], $0xffff  }
0xae: {  	v46 =	vor.u32 v2, v38;
	v40 =	vld.idx.msk [tilespmem:v40+s3+$0x0], $0xffff  }
0xaf: {  	v41 =	vld.idx.msk [tilespmem:v41+s3+$0x0], $0xffff;
	[tilespmem:v42+s30+$0x0] =	vst.idx.msk $0xffff, v36  }
0xb0: {  	v36 =	vor.u32 v8, v35;
	v42 =	vld.idx.msk [tilespmem:v43+s3+$0x0], $0xffff;
	v43 =	vor.u32 v3, v38;
	[tilespmem:v44+s30+$0x0] =	vst.idx.msk $0xffff, v37  }
0xb1: {  	v37 =	vor.u32 v9, v35;
	v44 =	vld.idx.msk [tilespmem:v45+s3+$0x0], $0xffff;
	v45 =	vor.u32 v4, v38;
	_ =	sdelay $0x1  }
0xb2: {  	[tilespmem:v46+s30+$0x0] =	vst.idx.msk $0xffff, v39;
	v39 =	vor.u32 v10, v35;
	v46 =	vor.u32 v6, v38;
	_ =	sdelay $0x1  }
0xb3: {  	v36 =	vld.idx.msk [tilespmem:v36+s3+$0x0], $0xffff;
	[tilespmem:v43+s30+$0x0] =	vst.idx.msk $0xffff, v40;
	v40 =	vor.u32 v11, v35;
	v43 =	vor.u32 v7, v38  }
0xb4: {  	v37 =	vld.idx.msk [tilespmem:v37+s3+$0x0], $0xffff;
	[tilespmem:v45+s30+$0x0] =	vst.idx.msk $0xffff, v41;
	v41 =	vor.u32 v12, v35;
	v45 =	vor.u32 v8, v38;
	_ =	sdelay $0x1  }
0xb5: {  	v39 =	vld.idx.msk [tilespmem:v39+s3+$0x0], $0xffff;
	[tilespmem:v46+s30+$0x0] =	vst.idx.msk $0xffff, v42;
	v42 =	vor.u32 v13, v35;
	v46 =	vor.u32 v9, v38;
	_ =	sdelay $0x1  }
0xb6: {  	v40 =	vld.idx.msk [tilespmem:v40+s3+$0x0], $0xffff;
	[tilespmem:v43+s30+$0x0] =	vst.idx.msk $0xffff, v44;
	v43 =	vor.u32 v14, v35;
	v44 =	vor.u32 v10, v38  }
0xb7: {  	v41 =	vld.idx.msk [tilespmem:v41+s3+$0x0], $0xffff;
	[tilespmem:v45+s30+$0x0] =	vst.idx.msk $0xffff, v36;
	v36 =	vor.u32 v15, v35;
	v45 =	vor.u32 v11, v38;
	_ =	sdelay $0x1  }
0xb8: {  	v42 =	vld.idx.msk [tilespmem:v42+s3+$0x0], $0xffff;
	[tilespmem:v46+s30+$0x0] =	vst.idx.msk $0xffff, v37;
	v37 =	vor.u32 v16, v35;
	v46 =	vor.u32 v12, v38;
	_ =	sdelay $0x1  }
0xb9: {  	v43 =	vld.idx.msk [tilespmem:v43+s3+$0x0], $0xffff;
	[tilespmem:v44+s30+$0x0] =	vst.idx.msk $0xffff, v39;
	v39 =	vor.u32 v17, v35;
	v44 =	vor.u32 v13, v38  }
0xba: {  	v36 =	vld.idx.msk [tilespmem:v36+s3+$0x0], $0xffff;
	[tilespmem:v45+s30+$0x0] =	vst.idx.msk $0xffff, v40;
	v40 =	vor.u32 v18, v35;
	v45 =	vor.u32 v14, v38;
	_ =	sdelay $0x1  }
0xbb: {  	v37 =	vld.idx.msk [tilespmem:v37+s3+$0x0], $0xffff;
	[tilespmem:v46+s30+$0x0] =	vst.idx.msk $0xffff, v41;
	v41 =	vor.u32 v19, v35;
	v46 =	vor.u32 v15, v38;
	_ =	sdelay $0x1  }
0xbc: {  	v39 =	vld.idx.msk [tilespmem:v39+s3+$0x0], $0xffff;
	[tilespmem:v44+s30+$0x0] =	vst.idx.msk $0xffff, v42;
	v42 =	vor.u32 v20, v35;
	v44 =	vor.u32 v16, v38  }
0xbd: {  	v40 =	vld.idx.msk [tilespmem:v40+s3+$0x0], $0xffff;
	[tilespmem:v45+s30+$0x0] =	vst.idx.msk $0xffff, v43;
	v43 =	vor.u32 v21, v35;
	v45 =	vor.u32 v17, v38;
	_ =	sdelay $0x1  }
0xbe: {  	v41 =	vld.idx.msk [tilespmem:v41+s3+$0x0], $0xffff;
	[tilespmem:v46+s30+$0x0] =	vst.idx.msk $0xffff, v36;
	v36 =	vor.u32 v22, v35;
	v46 =	vor.u32 v18, v38;
	_ =	sdelay $0x1  }
0xbf: {  	v42 =	vld.idx.msk [tilespmem:v42+s3+$0x0], $0xffff;
	[tilespmem:v44+s30+$0x0] =	vst.idx.msk $0xffff, v37;
	v37 =	vor.u32 v23, v35;
	v44 =	vor.u32 v19, v38  }
0xc0: {  	v43 =	vld.idx.msk [tilespmem:v43+s3+$0x0], $0xffff;
	[tilespmem:v45+s30+$0x0] =	vst.idx.msk $0xffff, v39;
	v39 =	vor.u32 v24, v35;
	v45 =	vor.u32 v20, v38;
	_ =	sdelay $0x1  }
0xc1: {  	v36 =	vld.idx.msk [tilespmem:v36+s3+$0x0], $0xffff;
	[tilespmem:v46+s30+$0x0] =	vst.idx.msk $0xffff, v40;
	v40 =	vor.u32 v25, v35;
	v46 =	vor.u32 v21, v38;
	_ =	sdelay $0x1  }
0xc2: {  	v37 =	vld.idx.msk [tilespmem:v37+s3+$0x0], $0xffff;
	[tilespmem:v44+s30+$0x0] =	vst.idx.msk $0xffff, v41;
	v41 =	vor.u32 v26, v35;
	v44 =	vor.u32 v22, v38  }
0xc3: {  	v39 =	vld.idx.msk [tilespmem:v39+s3+$0x0], $0xffff;
	[tilespmem:v45+s30+$0x0] =	vst.idx.msk $0xffff, v42;
	v42 =	vor.u32 v27, v35;
	v45 =	vor.u32 v23, v38;
	_ =	sdelay $0x1  }
0xc4: {  	v40 =	vld.idx.msk [tilespmem:v40+s3+$0x0], $0xffff;
	[tilespmem:v46+s30+$0x0] =	vst.idx.msk $0xffff, v43;
	v43 =	vor.u32 v28, v35;
	v46 =	vor.u32 v24, v38;
	_ =	sdelay $0x1  }
0xc5: {  	v41 =	vld.idx.msk [tilespmem:v41+s3+$0x0], $0xffff;
	[tilespmem:v44+s30+$0x0] =	vst.idx.msk $0xffff, v36;
	v36 =	vor.u32 v29, v35;
	v44 =	vor.u32 v25, v38  }
0xc6: {  	v42 =	vld.idx.msk [tilespmem:v42+s3+$0x0], $0xffff;
	[tilespmem:v45+s30+$0x0] =	vst.idx.msk $0xffff, v37;
	v37 =	vor.u32 v31, v35;
	v45 =	vor.u32 v26, v38;
	_ =	sdelay $0x1  }
0xc7: {  	v43 =	vld.idx.msk [tilespmem:v43+s3+$0x0], $0xffff;
	[tilespmem:v46+s30+$0x0] =	vst.idx.msk $0xffff, v39;
	v39 =	vor.u32 v32, v35;
	v46 =	vor.u32 v27, v38  }
0xc8: {  	v35 =	vor.u32 v33, v35  }
0xc9: {  	v36 =	vld.idx.msk [tilespmem:v36+s3+$0x0], $0xffff;
	[tilespmem:v44+s30+$0x0] =	vst.idx.msk $0xffff, v40;
	v40 =	vor.u32 v28, v38  }
0xca: {  	v37 =	vld.idx.msk [tilespmem:v37+s3+$0x0], $0xffff;
	[tilespmem:v45+s30+$0x0] =	vst.idx.msk $0xffff, v41;
	v41 =	vor.u32 v29, v38  }
0xcb: {  	v44 =	vor.u32 v31, v38  }
0xcc: {  	v39 =	vld.idx.msk [tilespmem:v39+s3+$0x0], $0xffff;
	[tilespmem:v46+s30+$0x0] =	vst.idx.msk $0xffff, v42;
	v46 =	vor.u32 v32, v38  }
0xcd: {  	p0 =	sne.s32 s2, $0xB0;
	v38 =	vor.u32 v33, v38;
	v35 =	vld.idx.msk [tilespmem:v35+s3+$0x0], $0xffff  }
.Ltmp0:
0xce: {  	[tilespmem:v40+s30+$0x0] =	vst.idx.msk $0xffff, v43;
	(pc) =	sbr.rel @p0 .LBB2_3-.Ltmp0, $4  }
0xcf: {  	[tilespmem:v41+s30+$0x0] =	vst.idx.msk $0xffff, v36  }
0xd0: {  	[tilespmem:v44+s30+$0x0] =	vst.idx.msk $0xffff, v37  }
0xd1: {  	[tilespmem:v46+s30+$0x0] =	vst.idx.msk $0xffff, v39  }
0xd2: {  	s1 =	sadd.s32 $0x40, s1;
	s2 =	sadd.s32 $0x10, s2;
	[tilespmem:v38+s30+$0x0] =	vst.idx.msk $0xffff, v35  }
0xd3: {  	v34 =	vld [tilespmem:s31+$0x1B38];
	_ =	sdelay $0x4  }
0xd4: {  	v34 =	vshll.u32 v34, $0x5  }
0xd5: {  	v35 =	vor.u32 v0, v34;
	_ =	sdelay $0x1  }
0xd6: {  	v42 =	vld [tilespmem:$0x1FF30];
	v36 =	vor.u32 v1, v34  }
0xd7: {  	v37 =	vor.u32 v2, v34  }
0xd8: {  	v45 =	vld [tilespmem:$0x1FF40];
	v38 =	vor.u32 v3, v34  }
0xd9: {  	v39 =	vor.u32 v4, v34;
	v35 =	vld.idx.msk [tilespmem:v35+s3+$0x0], $0xffff  }
0xda: {  	v46 =	vld [tilespmem:$0x1FF50];
	v40 =	vor.u32 v6, v34  }
0xdb: {  	v36 =	vld.idx.msk [tilespmem:v36+s3+$0x0], $0xffff  }
0xdc: {  	v41 =	vor.u32 v7, v34;
	v37 =	vld.idx.msk [tilespmem:v37+s3+$0x0], $0xffff  }
0xdd: {  	v38 =	vld.idx.msk [tilespmem:v38+s3+$0x0], $0xffff  }
0xde: {  	v39 =	vld.idx.msk [tilespmem:v39+s3+$0x0], $0xffff;
	[tilespmem:v42+s30+$0x0] =	vst.idx.msk $0xffff, v35  }
0xdf: {  	v40 =	vld.idx.msk [tilespmem:v40+s3+$0x0], $0xffff  }
0xe0: {  	[tilespmem:v45+s30+$0x0] =	vst.idx.msk $0xffff, v36;
	v45 =	vld [tilespmem:$0x1FF60]  }
0xe1: {  	v41 =	vld.idx.msk [tilespmem:v41+s3+$0x0], $0xffff  }
0xe2: {  	v35 =	vor.u32 v8, v34;
	[tilespmem:v46+s30+$0x0] =	vst.idx.msk $0xffff, v37;
	v46 =	vld [tilespmem:$0x1FF70];
	_ =	sdelay $0x1  }
0xe3: {  	v36 =	vor.u32 v9, v34;
	_ =	sdelay $0x2  }
0xe4: {  	v35 =	vld.idx.msk [tilespmem:v35+s3+$0x0], $0xffff  }
0xe5: {  	[tilespmem:v45+s30+$0x0] =	vst.idx.msk $0xffff, v38;
	v45 =	vld [tilespmem:$0x1FF80]  }
0xe6: {  	v36 =	vld.idx.msk [tilespmem:v36+s3+$0x0], $0xffff  }
0xe7: {  	v37 =	vor.u32 v10, v34;
	[tilespmem:v46+s30+$0x0] =	vst.idx.msk $0xffff, v39;
	v46 =	vld [tilespmem:$0x1FF90];
	_ =	sdelay $0x1  }
0xe8: {  	v38 =	vor.u32 v11, v34;
	_ =	sdelay $0x2  }
0xe9: {  	v37 =	vld.idx.msk [tilespmem:v37+s3+$0x0], $0xffff  }
0xea: {  	[tilespmem:v45+s30+$0x0] =	vst.idx.msk $0xffff, v40;
	v45 =	vld [tilespmem:$0x1FFA0]  }
0xeb: {  	v38 =	vld.idx.msk [tilespmem:v38+s3+$0x0], $0xffff  }
0xec: {  	v39 =	vor.u32 v12, v34;
	[tilespmem:v46+s30+$0x0] =	vst.idx.msk $0xffff, v41;
	v46 =	vld [tilespmem:$0x1FFB0];
	_ =	sdelay $0x1  }
0xed: {  	v40 =	vor.u32 v13, v34;
	_ =	sdelay $0x2  }
0xee: {  	v39 =	vld.idx.msk [tilespmem:v39+s3+$0x0], $0xffff  }
0xef: {  	[tilespmem:v45+s30+$0x0] =	vst.idx.msk $0xffff, v35;
	v45 =	vld [tilespmem:$0x1FFC0]  }
0xf0: {  	v40 =	vld.idx.msk [tilespmem:v40+s3+$0x0], $0xffff  }
0xf1: {  	v41 =	vor.u32 v14, v34;
	[tilespmem:v46+s30+$0x0] =	vst.idx.msk $0xffff, v36;
	v46 =	vld [tilespmem:$0x1FFD0];
	_ =	sdelay $0x1  }
0xf2: {  	v35 =	vor.u32 v15, v34;
	_ =	sdelay $0x2  }
0xf3: {  	v41 =	vld.idx.msk [tilespmem:v41+s3+$0x0], $0xffff  }
0xf4: {  	[tilespmem:v45+s30+$0x0] =	vst.idx.msk $0xffff, v37;
	v45 =	vld [tilespmem:$0x1FFE0]  }
0xf5: {  	v35 =	vld.idx.msk [tilespmem:v35+s3+$0x0], $0xffff  }
0xf6: {  	[tilespmem:v46+s30+$0x0] =	vst.idx.msk $0xffff, v38;
	v46 =	vld [tilespmem:$0x1FFF0];
	_ =	sdelay $0x1  }
0xf7: {  	v36 =	vor.u32 v16, v34  }
0xf8: {  	v37 =	vor.u32 v17, v34;
	_ =	sdelay $0x2  }
0xf9: {  	v38 =	vor.u32 v18, v34  }
0xfa: {  	v36 =	vld.idx.msk [tilespmem:v36+s3+$0x0], $0xffff;
	[tilespmem:v45+s30+$0x0] =	vst.idx.msk $0xffff, v39;
	v39 =	vor.u32 v19, v34  }
0xfb: {  	v42 =	vadd.s32 $0x5C0F, v30;
	v37 =	vld.idx.msk [tilespmem:v37+s3+$0x0], $0xffff;
	[tilespmem:v46+s30+$0x0] =	vst.idx.msk $0xffff, v40;
	v40 =	vor.u32 v20, v34  }
0xfc: {  	v43 =	vadd.s32 $0x5C10, v30;
	v45 =	vor.u32 v21, v34  }
0xfd: {  	v46 =	vor.u32 v22, v34  }
0xfe: {  	v38 =	vld.idx.msk [tilespmem:v38+s3+$0x0], $0xffff;
	[tilespmem:v47+s30+$0x0] =	vst.idx.msk $0xffff, v41  }
0xff: {  	v39 =	vld.idx.msk [tilespmem:v39+s3+$0x0], $0xffff;
	[tilespmem:v48+s30+$0x0] =	vst.idx.msk $0xffff, v35  }
0x100: {  	v44 =	vor.u32 v23, v34;
	v40 =	vld.idx.msk [tilespmem:v40+s3+$0x0], $0xffff;
	[tilespmem:v42+s30+$0x0] =	vst.idx.msk $0xffff, v36  }
0x101: {  	v41 =	vld.idx.msk [tilespmem:v45+s3+$0x0], $0xffff;
	[tilespmem:v43+s30+$0x0] =	vst.idx.msk $0xffff, v37;
	v45 =	vor.u32 v24, v34  }
0x102: {  	v35 =	vld.idx.msk [tilespmem:v46+s3+$0x0], $0xffff;
	v46 =	vor.u32 v25, v34;
	_ =	sdelay $0x1  }
0x103: {  	[tilespmem:v49+s30+$0x0] =	vst.idx.msk $0xffff, v38  }
0x104: {  	v36 =	vld.idx.msk [tilespmem:v44+s3+$0x0], $0xffff;
	v44 =	vor.u32 v26, v34;
	[tilespmem:v50+s30+$0x0] =	vst.idx.msk $0xffff, v39  }
0x105: {  	v37 =	vld.idx.msk [tilespmem:v45+s3+$0x0], $0xffff;
	[tilespmem:v51+s30+$0x0] =	vst.idx.msk $0xffff, v40;
	v45 =	vor.u32 v27, v34  }
0x106: {  	v38 =	vld.idx.msk [tilespmem:v46+s3+$0x0], $0xffff;
	v46 =	vor.u32 v28, v34;
	_ =	sdelay $0x1  }
0x107: {  	[tilespmem:v52+s30+$0x0] =	vst.idx.msk $0xffff, v41  }
0x108: {  	v39 =	vld.idx.msk [tilespmem:v44+s3+$0x0], $0xffff;
	[tilespmem:v53+s30+$0x0] =	vst.idx.msk $0xffff, v35;
	v44 =	vor.u32 v29, v34  }
0x109: {  	v40 =	vld.idx.msk [tilespmem:v45+s3+$0x0], $0xffff;
	[tilespmem:v54+s30+$0x0] =	vst.idx.msk $0xffff, v36;
	v45 =	vor.u32 v31, v34  }
0x10a: {  	v41 =	vld.idx.msk [tilespmem:v46+s3+$0x0], $0xffff;
	v46 =	vor.u32 v32, v34  }
0x10b: {  	v34 =	vor.u32 v33, v34  }
0x10c: {  	[tilespmem:v55+s30+$0x0] =	vst.idx.msk $0xffff, v37  }
0x10d: {  	v35 =	vld.idx.msk [tilespmem:v44+s3+$0x0], $0xffff;
	[tilespmem:v56+s30+$0x0] =	vst.idx.msk $0xffff, v38  }
0x10e: {  	v36 =	vld.idx.msk [tilespmem:v45+s3+$0x0], $0xffff;
	[tilespmem:v57+s30+$0x0] =	vst.idx.msk $0xffff, v39  }
0x10f: {  	v37 =	vld.idx.msk [tilespmem:v46+s3+$0x0], $0xffff;
	[tilespmem:v58+s30+$0x0] =	vst.idx.msk $0xffff, v40  }
0x110: {  	p0 =	sgt.u32 s29, $0x1FB;
	v34 =	vld.idx.msk [tilespmem:v34+s3+$0x0], $0xffff  }
0x111: {  	s1 =	sadd.s32 @!p0 $0x4, s29;
	[tilespmem:v59+s30+$0x0] =	vst.idx.msk $0xffff, v41  }
0x112: {  	s2 =	sadd.s32 @!p0 s4, s1;
	s1 =	sshll.u32 @!p0 s1, $0x4;
	[tilespmem:v60+s30+$0x0] =	vst.idx.msk $0xffff, v35  }
0x113: {  	s2 =	sshll.u32 @!p0 s2, $0x5;
	s1 =	sand.u32 @!p0 $0x70, s1;
	[tilespmem:v61+s30+$0x0] =	vst.idx.msk $0xffff, v36  }
0x114: {  	s13 =	sadd.s32 $0x1900, s31;
	s2 =	sand.u32 @!p0 $0xFFF00, s2;
	s1 =	sadd.s32 @!p0 s0, s1;
	[tilespmem:v62+s30+$0x0] =	vst.idx.msk $0xffff, v37  }
0x115: {  	s15 =	sadd.s32 @!p0 $0x1B00, s31;
	s1 =	sadd.s32 @!p0 s2, s1;
	s2 =	simm.s32 @!p0 $0x0;
	[tilespmem:v63+s30+$0x0] =	vst.idx.msk $0xffff, v34  }
0x116: {  	[tilespmem:s13], [sflag:$0x1] =	stream.linear.gather @!p0 [hbm4b:s1+s2], $0x80, $0x38;
	[tilespmem:$0x1AD00] =	vst v63  }
0x117: {  	s13 =	sadd.s32 s4, s29;
	s1 =	sadd.s32 @!p0 $0x80, s1;
	s29 =	sadd.s32 $0x1, s29  }
0x118: {  	[tilespmem:s15], [sflag:$0x1] =	stream.linear.gather @!p0 [hbm4b:s1+s2], $0x80, $0x38;
	[tilespmem:$0x1AD00] =	vst v63  }
0x119: {  	p0 =	sne.s32 s29, $0x200  }
.Ltmp1:
0x11a: {  	_ = 	snop;
	(pc) =	sbr.rel @p0 .LBB2_2-.Ltmp1, $3  }
0x11b: {  	s13 =	smul.u32 $0xC80, s13;
	_ =	sdelay $0x1  }
0x11c: {  	s31 =	sadd.s32 s7, s13  }
0x11d: {  	[hbm4b:s31+s3] =	stream.linear.scatter [tilespmem:s30], [sflag:$0x2], $0x6400, $0x38;
	[tilespmem:$0x1AD00] =	vst v63  }
0x11e: {  	_ =	swait.ge [sflag:s26], $0x6400  }
0x11f: {  	[sflag:s26] =	ssyncset.done $0x0  }
0x120: {  	[sflag:s26] =	ssyncadd.s32 $0xFFFF9C00  }
0x121: {  	_ =	swait.ge [sflag:s26], $0x6400  }
0x122: {  	[sflag:s26] =	ssyncset.done $0x0  }
0x123: {  	s28 =	sadd.s32 $0x1, s28;
	[sflag:s26] =	ssyncadd.s32 $0xFFFF9C00  }
0x124: {  	p0 =	sne.s32 s28, s8;
	_ =	swait.ge [sflag:s26], $0x6400  }
.Ltmp2:
0x125: {  	[sflag:s26] =	ssyncset.done $0x0;
	(pc) =	sbr.rel @p0 .LBB2_1-.Ltmp2, $4  }
0x126: {  	[sflag:s26] =	ssyncadd.s32 $0xFFFF9C00  }
0x127: {  	_ =	swait.ge [sflag:s26], $0x6400  }
0x128: {  	[sflag:s26] =	ssyncset.done $0x0  }
0x129: {  	[sflag:s26] =	ssyncadd.s32 $0xFFFF9C00  }
0x12a: {  	_ =	sfence.sel $0x180000  }
0x12b: {  	[bflag:$0x0] =	sbarrier.arrive $0xFFFF  }
0x12c: {  	_ =	strace $0x90000047  }
0x12d: {  	s0 =	stileid.u32;
	[bflag:$0x2] =	sbarrier.arrive $0xFFFF  }
0x12e: {  	p0 =	sne.s32 s0, $0x0;
	s0 =	rddreg [dreg:$0x2]  }
0x12f: {  	s0 =	sadd.s32 @!p0 $0x100000, s0  }
0x130: {  	[sflag:s0] =	ssyncadd.tile.s32 @!p0 $0x1;
	_ =	shalt  }
.Lfunc_end2:
_tile_overlayer_lowered:
.L_overlay_start_2:
0x131: {  	(tag) =	ssettag $0x2  }
0x132: {  	s0 =	rddreg [dreg:$0x0];
	s2 =	stileid.u32  }
0x133: {  	s1 =	rddreg [dreg:$0x1];
	p0 =	sne.s32 s2, $0x0  }
0x134: {  	s3 =	rddreg [dreg:$0x2];
	[bflag:$0x3] =	sbarrier.arrive $0xFFFF;
	s2 =	simm.s32 @!p0 $0x1C03  }
0x135: {  	[timem:s3], [sflag:s2] =	dma.local @!p0 [hbm:s0], s1  }
0x136: {  	s0 =	simm.s32 @!p0 $0x3  }
0x137: {  	_ =	swait.ge @!p0 [sflag:s0], s1  }
0x138: {  	s1 =	ssub.s32 @!p0 $0x0, s1;
	[sflag:s0] =	ssyncset.done @!p0 $0x0  }
0x139: {  	[sflag:s0] =	ssyncadd.s32 @!p0 s1  }
0x13a: {  	[bflag:$0x3] =	sbarrier.arrive $0xFFFF  }
0x13b: {  	_ =	shalt  }

</sc_bundles>
